<compile_context>
chip_gen: v7x
topology: tpu7x:2x2x1
jax: 0.10.2.dev20260603
libtpu: 0.0.44.dev20260713+nightly
codegen_flags: <defaults>
</compile_context>

<pallas_src>
import functools

import jax
import jax.numpy as jnp
from jax import lax
from jax.experimental import pallas as pl
from jax.experimental.pallas import tpu as pltpu
from jax.experimental.pallas import tpu_sc as plsc

_B, _N, _K, _FI, _FO, _H = 16, 1024, 20, 3, 16, 4
_HF = _H * _FO
_EPS = 1e-3
_BLK = 128
_NBLK = (_B * _N) // _BLK
_NW = 32
_ROWS_PER_W = (_B * _N * _K) // _NW
_CH = 128
_NCH = _ROWS_PER_W // _CH


def _knn_body(pc_ref, w1_ref, idx_ref, x_ref, adj_ref):
    b = pl.program_id(0)
    pc = pc_ref[0]
    sq = jnp.sum(pc * pc, axis=1, keepdims=True)
    pcb = pc.astype(jnp.bfloat16)
    ip = lax.dot_general(pcb, pcb, (((1,), (1,)), ((), ())),
                         preferred_element_type=jnp.float32)
    adj_ref[...] = sq + (-2.0 * ip) + sq.reshape(1, _N)

    ci = lax.broadcasted_iota(jnp.int32, (_N, _N), 1)
    kcol = lax.broadcasted_iota(jnp.int32, (_N, _K), 1)

    def body(k, out_idx):
        adj = adj_ref[...]
        m = jnp.min(adj, axis=1, keepdims=True)
        cand = jnp.where(adj == m, ci, jnp.int32(2**30))
        idxk = jnp.min(cand, axis=1)
        adj_ref[...] = jnp.where(ci == idxk[:, None], jnp.float32(jnp.inf), adj)
        return jnp.where(kcol == k, idxk[:, None], out_idx)

    out_idx = lax.fori_loop(0, _K, body, jnp.zeros((_N, _K), jnp.int32))
    idx_ref[0] = out_idx + b * _N
    x_ref[0] = jnp.dot(pc, w1_ref[...], precision=lax.Precision.HIGHEST,
                       preferred_element_type=jnp.float32)


def _run_knn(pc, w1):
    return pl.pallas_call(
        _knn_body,
        grid=(_B,),
        in_specs=[
            pl.BlockSpec((1, _N, _FI), lambda b: (b, 0, 0)),
            pl.BlockSpec((_FI, _HF), lambda b: (0, 0)),
        ],
        out_specs=[
            pl.BlockSpec((1, _N, _K), lambda b: (b, 0, 0)),
            pl.BlockSpec((1, _N, _HF), lambda b: (b, 0, 0)),
        ],
        out_shape=[
            jax.ShapeDtypeStruct((_B, _N, _K), jnp.int32),
            jax.ShapeDtypeStruct((_B, _N, _HF), jnp.float32),
        ],
        scratch_shapes=[pltpu.VMEM((_N, _N), jnp.float32)],
    )(pc, w1)


def _sc_gather(x_flat, idx):
    idx3 = idx.reshape(_NW, _NCH, _CH)
    mesh = plsc.VectorSubcoreMesh(core_axis_name="c", subcore_axis_name="s")

    @functools.partial(
        pl.kernel,
        mesh=mesh,
        compiler_params=pltpu.CompilerParams(use_tc_tiling_on_sc=False),
        out_type=jax.ShapeDtypeStruct((_B * _N * _K, _HF), jnp.float32),
        scratch_types=[
            pltpu.VMEM((_NCH, _CH), jnp.int32),
            pltpu.VMEM((_CH, _HF), jnp.float32),
            pltpu.VMEM((_CH, _HF), jnp.float32),
            pltpu.SemaphoreType.DMA,
            pltpu.SemaphoreType.DMA,
        ],
    )
    def k(idx_hbm, x_hbm, out_hbm, idx_v, buf0, buf1, sem0, sem1):
        wid = lax.axis_index("s") * 2 + lax.axis_index("c")
        base = wid * _ROWS_PER_W
        pltpu.sync_copy(idx_hbm.at[wid], idx_v)

        def body(c, _):
            c0 = 2 * c
            c1 = 2 * c + 1
            cp0 = pltpu.async_copy(x_hbm.at[idx_v.at[c0]], buf0, sem0)
            cp1 = pltpu.async_copy(x_hbm.at[idx_v.at[c1]], buf1, sem1)
            cp0.wait()
            pltpu.sync_copy(buf0, out_hbm.at[pl.ds(base + c0 * _CH, _CH)])
            cp1.wait()
            pltpu.sync_copy(buf1, out_hbm.at[pl.ds(base + c1 * _CH, _CH)])
            return 0

        lax.fori_loop(0, _NCH // 2, body, 0)

    return k(idx3, x_flat)


def _leaky(x):
    return jnp.where(x >= 0.0, x, 0.2 * x)


def _epilogue_body(pc_ref, ws1_ref, x_ref, knn_ref, ob_ref, p64_ref, pe_ref,
                   wrow_ref, s64_ref, att_ref, mgf_ref):
    p64 = p64_ref[...]
    pe = pe_ref[...]
    wrow = wrow_ref[...]
    sseg = s64_ref[...]
    pc = pc_ref[...]
    xs = x_ref[...]
    knn = knn_ref[...]

    b1s, gs1, bes1 = p64[0], p64[1], p64[2]
    bnb1, gnb1, benb1 = p64[3], p64[4], p64[5]
    b2e, g2e, be2e = pe[0], pe[1], pe[2]
    bnb2e, gnb2e, benb2e = pe[3], pe[4], pe[5]

    s1 = jnp.dot(pc, ws1_ref[...], precision=lax.Precision.HIGHEST,
                 preferred_element_type=jnp.float32)
    s1 = jax.nn.relu(s1 + b1s[None, :]) * gs1[None, :] + bes1[None, :]
    s2e = jnp.dot((s1 * wrow[0][None, :]).astype(jnp.bfloat16), sseg,
                  preferred_element_type=jnp.float32)
    sa_e = jax.nn.relu(s2e + b2e[None, :]) * g2e[None, :] + be2e[None, :]

    na = jax.nn.relu(xs[:, None, :] - knn + bnb1[None, None, :])
    na = na * gnb1[None, None, :] + benb1[None, None, :]
    pn = (na * wrow[1][None, None, :]).reshape(_BLK * _K, _HF)
    na2e = jnp.dot(pn.astype(jnp.bfloat16), sseg,
                   preferred_element_type=jnp.float32).reshape(_BLK, _K, _HF)
    na2b = jax.nn.relu(na2e + bnb2e[None, None, :]) * gnb2e[None, None, :] \
        + benb2e[None, None, :]

    lg = _leaky(sa_e[:, None, :] + na2b)
    m = jnp.max(lg, axis=1, keepdims=True)
    e = jnp.exp(lg - m)
    coef = e / jnp.sum(e, axis=1, keepdims=True)

    att = jnp.sum(coef * na, axis=1)
    att_ref[...] = jax.nn.relu(att + ob_ref[...])
    mgf_ref[...] = na


def _run_epilogue(pc2, xflat, knn3, ob, ws1, p64, pe, wrow, s64):
    return pl.pallas_call(
        _epilogue_body,
        grid=(_NBLK,),
        in_specs=[
            pl.BlockSpec((_BLK, _FI), lambda i: (i, 0)),
            pl.BlockSpec((_FI, _HF), lambda i: (0, 0)),
            pl.BlockSpec((_BLK, _HF), lambda i: (i, 0)),
            pl.BlockSpec((_BLK, _K, _HF), lambda i: (i, 0, 0)),
            pl.BlockSpec((_BLK, _HF), lambda i: (i % (_N // _BLK), 0)),
            pl.BlockSpec((6, _HF), lambda i: (0, 0)),
            pl.BlockSpec((6, _HF), lambda i: (0, 0)),
            pl.BlockSpec((2, _HF), lambda i: (0, 0)),
            pl.BlockSpec((_HF, _HF), lambda i: (0, 0)),
        ],
        out_specs=[
            pl.BlockSpec((_BLK, _HF), lambda i: (i, 0)),
            pl.BlockSpec((_BLK, _K, _HF), lambda i: (i, 0, 0)),
        ],
        out_shape=[
            jax.ShapeDtypeStruct((_B * _N, _HF), jnp.float32),
            jax.ShapeDtypeStruct((_B * _N, _K, _HF), jnp.float32),
        ],
    )(pc2, ws1, xflat, knn3, ob, p64, pe, wrow, s64)


def kernel(point_cloud, W_self1, b_self1, g_self1, be_self1, W_self2, b_self2,
           g_self2, be_self2, W_nb1, b_nb1, g_nb1, be_nb1, W_nb2, b_nb2,
           g_nb2, be_nb2, out_bias):
    f32 = jnp.float32
    inv = 1.0 / jnp.sqrt(jnp.float32(1.0 + _EPS))

    ws1 = jnp.transpose(W_self1, (1, 0, 2)).reshape(_FI, _HF).astype(f32)
    wn1 = jnp.transpose(W_nb1, (1, 0, 2)).reshape(_FI, _HF).astype(f32)
    p64 = jnp.stack([
        b_self1.reshape(_HF), (g_self1 * inv).reshape(_HF), be_self1.reshape(_HF),
        b_nb1.reshape(_HF), (g_nb1 * inv).reshape(_HF), be_nb1.reshape(_HF),
    ]).astype(f32)
    def expand(v):
        return jnp.broadcast_to(v.reshape(_H, 1), (_H, _FO)).reshape(_HF)

    pe = jnp.stack([
        expand(b_self2), expand(g_self2 * inv), expand(be_self2),
        expand(b_nb2), expand(g_nb2 * inv), expand(be_nb2),
    ]).astype(f32)
    wrow = jnp.stack([W_self2.reshape(_HF), W_nb2.reshape(_HF)]).astype(f32)
    seg = jnp.arange(_HF, dtype=jnp.int32) // _FO
    s64 = (seg[:, None] == seg[None, :]).astype(jnp.bfloat16)
    ob = jnp.transpose(out_bias, (1, 2, 0, 3)).reshape(_N, _HF).astype(f32)

    idx, x = _run_knn(point_cloud, wn1)
    xflat = x.reshape(_B * _N, _HF)
    knn = _sc_gather(xflat, idx.reshape(-1))
    knn3 = knn.reshape(_B * _N, _K, _HF)
    pc2 = point_cloud.reshape(_B * _N, _FI)
    att, mgf = _run_epilogue(pc2, xflat, knn3, ob, ws1, p64, pe, wrow, s64)
    return (att.reshape(_B, _N, 1, _HF), mgf.reshape(_B, _N, _K, _HF))

# --- scband reference (transcript-rebuilt; emitter-appended) ---
"""Pipeline reference for scband-multi-graph-attention-32023276159483 (READ-ONLY COPY).

The authoritative reference and input builder live on the scoring server;
editing this copy changes nothing except your own understanding.
"""

import jax, jax.numpy as jnp
import numpy as np

B = 16
N = 1024
KNN_K = 20
F_IN = 3
F_OUT = 16
H = 4
EPS = 1e-3


def setup_inputs(seed: int = 0):
    key = jax.random.key(seed)
    ks = jax.random.split(key, 8)
    inp = {}
    inp["point_cloud"] = jax.random.normal(ks[0], (B, N, F_IN), dtype=jnp.float32)
    inp["W_self1"] = jax.random.normal(ks[1], (H, F_IN, F_OUT), dtype=jnp.float32) * 0.1
    inp["b_self1"] = jnp.zeros((H, F_OUT), dtype=jnp.float32)
    inp["g_self1"] = jnp.ones((H, F_OUT), dtype=jnp.float32)
    inp["be_self1"] = jnp.zeros((H, F_OUT), dtype=jnp.float32)
    inp["W_self2"] = jax.random.normal(ks[2], (H, F_OUT, 1), dtype=jnp.float32) * 0.1
    inp["b_self2"] = jnp.zeros((H, 1), dtype=jnp.float32)
    inp["g_self2"] = jnp.ones((H, 1), dtype=jnp.float32)
    inp["be_self2"] = jnp.zeros((H, 1), dtype=jnp.float32)
    inp["W_nb1"] = jax.random.normal(ks[3], (H, F_IN, F_OUT), dtype=jnp.float32) * 0.1
    inp["b_nb1"] = jnp.zeros((H, F_OUT), dtype=jnp.float32)
    inp["g_nb1"] = jnp.ones((H, F_OUT), dtype=jnp.float32)
    inp["be_nb1"] = jnp.zeros((H, F_OUT), dtype=jnp.float32)
    inp["W_nb2"] = jax.random.normal(ks[4], (H, F_OUT, 1), dtype=jnp.float32) * 0.1
    inp["b_nb2"] = jnp.zeros((H, 1), dtype=jnp.float32)
    inp["g_nb2"] = jnp.ones((H, 1), dtype=jnp.float32)
    inp["be_nb2"] = jnp.zeros((H, 1), dtype=jnp.float32)
    inp["out_bias"] = jax.random.normal(ks[5], (H, N, 1, F_OUT), dtype=jnp.float32) * 0.1
    return inp


def _bn(x, gamma, beta):
    # inference-mode Keras BatchNormalization: moving_mean=0, moving_var=1, eps=1e-3
    return (x / jnp.sqrt(1.0 + EPS)) * gamma[None, :, None, None, :] + beta[None, :, None, None, :]


def _forward(point_cloud, W_self1, b_self1, g_self1, be_self1, W_self2, b_self2, g_self2, be_self2, W_nb1, b_nb1, g_nb1, be_nb1, W_nb2, b_nb2, g_nb2, be_nb2, out_bias):
    pc = point_cloud
    # KNN layer: pairwise squared distances + top-k + gather
    inner = -2.0 * jnp.einsum("bnd,bmd->bnm", pc, pc)
    sq = jnp.sum(pc * pc, axis=-1, keepdims=True)
    adj = sq + inner + jnp.transpose(sq, (0, 2, 1))
    _, nn_idx = jax.lax.top_k(-adj, KNN_K)
    knn = jax.vmap(lambda p, i: p[i])(pc, nn_idx)  # [B, N, K, F_IN]
    pc_e = pc[:, :, None, :]  # [B, N, 1, F_IN]
    diff = pc_e - knn  # [B, N, K, F_IN]
    # per-head GraphAttention, all heads batched on axis h
    sa = jax.nn.relu(jnp.einsum("bnij,hjf->bhnif", pc_e, W_self1) + b_self1[None, :, None, None, :])
    sa = _bn(sa, g_self1, be_self1)
    sa = jax.nn.relu(jnp.einsum("bhnif,hfo->bhnio", sa, W_self2) + b_self2[None, :, None, None, :])
    sa = _bn(sa, g_self2, be_self2)  # [B, H, N, 1, 1]
    na = jax.nn.relu(jnp.einsum("bnkj,hjf->bhnkf", diff, W_nb1) + b_nb1[None, :, None, None, :])
    na = _bn(na, g_nb1, be_nb1)  # [B, H, N, K, F_OUT]
    graph_features = na
    na2 = jax.nn.relu(jnp.einsum("bhnkf,hfo->bhnko", na, W_nb2) + b_nb2[None, :, None, None, :])
    na2 = _bn(na2, g_nb2, be_nb2)  # [B, H, N, K, 1]
    logits = sa + na2  # broadcast -> [B, H, N, K, 1]
    logits = jnp.transpose(logits, (0, 1, 2, 4, 3))  # [B, H, N, 1, K]
    logits = jnp.where(logits >= 0.0, logits, 0.2 * logits)  # leaky relu alpha=0.2
    coef = jax.nn.softmax(logits, axis=-1)
    att = jnp.einsum("bhnik,bhnkf->bhnif", coef, graph_features)
    att = jax.nn.relu(att + out_bias[None])  # [B, H, N, 1, F_OUT]
    # concat over heads on the feature axis (head loop order = axis h)
    attention_features = jnp.transpose(att, (0, 2, 3, 1, 4)).reshape(B, N, 1, H * F_OUT)
    multi_graph_features = jnp.transpose(graph_features, (0, 2, 3, 1, 4)).reshape(B, N, KNN_K, H * F_OUT)
    return attention_features, multi_graph_features


def reference(point_cloud, W_self1, b_self1, g_self1, be_self1, W_self2, b_self2, g_self2, be_self2, W_nb1, b_nb1, g_nb1, be_nb1, W_nb2, b_nb2, g_nb2, be_nb2, out_bias):
    return _forward(point_cloud, W_self1, b_self1, g_self1, be_self1, W_self2, b_self2, g_self2, be_self2, W_nb1, b_nb1, g_nb1, be_nb1, W_nb2, b_nb2, g_nb2, be_nb2, out_bias)

if __name__ == "__main__":
    import jax
    _d = setup_inputs()
    print(jax.jit(kernel)(*tuple(_d.values())))

</pallas_src>

<mosaic_0001>
#map = affine_map<(d0, d1) -> (0, 0, 0)>
#map1 = affine_map<(d0, d1) -> (0, 0)>
module attributes {stable_mosaic.version = 14 : i64} {
  func.func @k(%arg0: i32, %arg1: i32, %arg2: memref<32x80x128xi32, #tpu.memory_space<hbm>>, %arg3: memref<16384x64xf32, #tpu.memory_space<hbm>>, %arg4: memref<327680x64xf32, #tpu.memory_space<hbm>>, %arg5: memref<80x128xi32, #tpu.memory_space<vmem>>, %arg6: memref<128x64xf32, #tpu.memory_space<vmem>>, %arg7: memref<128x64xf32, #tpu.memory_space<vmem>>, %arg8: memref<!tpu.dma_semaphore, #tpu.memory_space<semaphore_mem>>, %arg9: memref<!tpu.dma_semaphore, #tpu.memory_space<semaphore_mem>>) attributes {dimension_semantics = [#tpu.dimension_semantics<core_parallel>, #tpu.dimension_semantics<subcore_parallel>], iteration_bounds = array<i64: 2, 16>, scalar_prefetch = 0 : i64, scratch_operands = 5 : i64, tpu.core_type = #tpu.core_type<sc_vector_subcore>, window_params = [{transform_indices = #map}, {transform_indices = #map1}, {transform_indices = #map1}]} {
    %mul3A = arith.constant 2 : i32
    %mul3A_0 = arith.muli %arg1, %mul3A : i32
    %add3A = arith.addi %mul3A_0, %arg0 : i32
    %mul3A_1 = arith.constant 10240 : i32
    %mul3A_2 = arith.muli %add3A, %mul3A_1 : i32
    "tpu.region"() ({
      %run_scoped3A = tpu.sem_alloc : memref<!tpu.dma_semaphore, #tpu.memory_space<semaphore_mem>>
      %dma_start3A = arith.constant 0 : i32
      %dma_start3A_9 = arith.constant 0 : i32
      %dma_start3A_10 = tpu.memref_slice %arg2[%add3A, %dma_start3A, %dma_start3A_9] : memref<32x80x128xi32, #tpu.memory_space<hbm>> -> memref<1x80x128xi32, #tpu.memory_space<hbm>>
      %dma_start3A_11 = tpu.memref_squeeze %dma_start3A_10 : memref<1x80x128xi32, #tpu.memory_space<hbm>> -> memref<80x128xi32, #tpu.memory_space<hbm>>
      %dma_start3A_12 = arith.constant 0 : i32
      %dma_start3A_13 = arith.constant 0 : i32
      %dma_start3A_14 = tpu.memref_slice %arg2[%add3A, %dma_start3A_12, %dma_start3A_13] : memref<32x80x128xi32, #tpu.memory_space<hbm>> -> memref<1x80x128xi32, #tpu.memory_space<hbm>>
      %dma_start3A_15 = tpu.memref_squeeze %dma_start3A_14 : memref<1x80x128xi32, #tpu.memory_space<hbm>> -> memref<80x128xi32, #tpu.memory_space<hbm>>
      tpu.enqueue_dma source(%dma_start3A_15 : memref<80x128xi32, #tpu.memory_space<hbm>>) target(%arg5 : memref<80x128xi32, #tpu.memory_space<vmem>>) target_semaphore(%run_scoped3A : memref<!tpu.dma_semaphore, #tpu.memory_space<semaphore_mem>>)
      %dma_wait3A = arith.constant 0 : i32
      %dma_wait3A_16 = arith.constant 0 : i32
      %dma_wait3A_17 = tpu.memref_slice %arg2[%add3A, %dma_wait3A, %dma_wait3A_16] : memref<32x80x128xi32, #tpu.memory_space<hbm>> -> memref<1x80x128xi32, #tpu.memory_space<hbm>>
      %dma_wait3A_18 = tpu.memref_squeeze %dma_wait3A_17 : memref<1x80x128xi32, #tpu.memory_space<hbm>> -> memref<80x128xi32, #tpu.memory_space<hbm>>
      %dma_wait3A_19 = arith.constant 0 : i32
      %dma_wait3A_20 = arith.constant 0 : i32
      %dma_wait3A_21 = tpu.memref_slice %arg2[%add3A, %dma_wait3A_19, %dma_wait3A_20] : memref<32x80x128xi32, #tpu.memory_space<hbm>> -> memref<1x80x128xi32, #tpu.memory_space<hbm>>
      %dma_wait3A_22 = tpu.memref_squeeze %dma_wait3A_21 : memref<1x80x128xi32, #tpu.memory_space<hbm>> -> memref<80x128xi32, #tpu.memory_space<hbm>>
      tpu.wait_dma2 semaphore(%run_scoped3A : memref<!tpu.dma_semaphore, #tpu.memory_space<semaphore_mem>>) src(%dma_wait3A_22 : memref<80x128xi32, #tpu.memory_space<hbm>>) dst(%arg5 : memref<80x128xi32, #tpu.memory_space<vmem>>)
      tpu.yield
    }) : () -> ()
    %scan3A = arith.constant 0 : i32
    %scan3A_3 = arith.constant 0 : i32
    %scan3A_4 = arith.constant 40 : i32
    %scan3A_5 = arith.addi %scan3A_3, %scan3A_4 : i32
    %scan3A_6 = arith.constant 1 : i32
    %scan3A_7 = scf.for %scan3A_9 = %scan3A_3 to %scan3A_5 step %scan3A_6 iter_args(%scan3A_10 = %scan3A) -> (i32)  : i32 {
      %mul3A_11 = arith.constant 2 : i32
      %mul3A_12 = arith.muli %mul3A_11, %scan3A_9 : i32
      %mul3A_13 = arith.constant 2 : i32
      %mul3A_14 = arith.muli %mul3A_13, %scan3A_9 : i32
      %add3A_15 = arith.constant 1 : i32
      %add3A_16 = arith.addi %mul3A_14, %add3A_15 : i32
      %dma_start3A = arith.constant 0 : i32
      %dma_start3A_17 = tpu.memref_slice %arg5[%mul3A_12, %dma_start3A] : memref<80x128xi32, #tpu.memory_space<vmem>> -> memref<1x128xi32, #tpu.memory_space<vmem>>
      %dma_start3A_18 = tpu.memref_squeeze %dma_start3A_17 : memref<1x128xi32, #tpu.memory_space<vmem>> -> memref<128xi32, #tpu.memory_space<vmem>>
      %dma_start3A_19 = arith.constant 0 : i32
      %dma_start3A_20 = arith.constant 0 : i32
      %dma_start3A_21 = tpu.memref_slice %arg3[%dma_start3A_19, %dma_start3A_20] : memref<16384x64xf32, #tpu.memory_space<hbm>> -> memref<16384x64xf32, #tpu.memory_space<hbm>>
      tpu.enqueue_indirect_dma source(%dma_start3A_21 : memref<16384x64xf32, #tpu.memory_space<hbm>>) target(%arg6 : memref<128x64xf32, #tpu.memory_space<vmem>>) offsets(%dma_start3A_18 : memref<128xi32, #tpu.memory_space<vmem>>) semaphore(%arg8 : memref<!tpu.dma_semaphore, #tpu.memory_space<semaphore_mem>>)
      %dma_start3A_22 = arith.constant 0 : i32
      %dma_start3A_23 = tpu.memref_slice %arg5[%add3A_16, %dma_start3A_22] : memref<80x128xi32, #tpu.memory_space<vmem>> -> memref<1x128xi32, #tpu.memory_space<vmem>>
      %dma_start3A_24 = tpu.memref_squeeze %dma_start3A_23 : memref<1x128xi32, #tpu.memory_space<vmem>> -> memref<128xi32, #tpu.memory_space<vmem>>
      %dma_start3A_25 = arith.constant 0 : i32
      %dma_start3A_26 = arith.constant 0 : i32
      %dma_start3A_27 = tpu.memref_slice %arg3[%dma_start3A_25, %dma_start3A_26] : memref<16384x64xf32, #tpu.memory_space<hbm>> -> memref<16384x64xf32, #tpu.memory_space<hbm>>
      tpu.enqueue_indirect_dma source(%dma_start3A_27 : memref<16384x64xf32, #tpu.memory_space<hbm>>) target(%arg7 : memref<128x64xf32, #tpu.memory_space<vmem>>) offsets(%dma_start3A_24 : memref<128xi32, #tpu.memory_space<vmem>>) semaphore(%arg9 : memref<!tpu.dma_semaphore, #tpu.memory_space<semaphore_mem>>)
      %dma_wait3A = arith.constant 0 : i32
      %dma_wait3A_28 = tpu.memref_slice %arg5[%mul3A_12, %dma_wait3A] : memref<80x128xi32, #tpu.memory_space<vmem>> -> memref<1x128xi32, #tpu.memory_space<vmem>>
      %dma_wait3A_29 = tpu.memref_squeeze %dma_wait3A_28 : memref<1x128xi32, #tpu.memory_space<vmem>> -> memref<128xi32, #tpu.memory_space<vmem>>
      %dma_wait3A_30 = arith.constant 0 : i32
      %dma_wait3A_31 = arith.constant 0 : i32
      %dma_wait3A_32 = tpu.memref_slice %arg3[%dma_wait3A_30, %dma_wait3A_31] : memref<16384x64xf32, #tpu.memory_space<hbm>> -> memref<16384x64xf32, #tpu.memory_space<hbm>>
      tpu.wait_indirect_dma semaphore(%arg8 : memref<!tpu.dma_semaphore, #tpu.memory_space<semaphore_mem>>) src(%dma_wait3A_32 : memref<16384x64xf32, #tpu.memory_space<hbm>>) dst(%arg6 : memref<128x64xf32, #tpu.memory_space<vmem>>)
      %mul3A_33 = arith.constant 128 : i32
      %mul3A_34 = arith.muli %mul3A_12, %mul3A_33 : i32
      %add3A_35 = arith.addi %mul3A_2, %mul3A_34 : i32
      "tpu.region"() ({
        %run_scoped3A = tpu.sem_alloc : memref<!tpu.dma_semaphore, #tpu.memory_space<semaphore_mem>>
        %dma_start3A_46 = arith.constant 0 : i32
        %dma_start3A_47 = tpu.memref_slice %arg4[%add3A_35, %dma_start3A_46] : memref<327680x64xf32, #tpu.memory_space<hbm>> -> memref<128x64xf32, #tpu.memory_space<hbm>>
        %dma_start3A_48 = arith.constant 0 : i32
        %dma_start3A_49 = tpu.memref_slice %arg4[%add3A_35, %dma_start3A_48] : memref<327680x64xf32, #tpu.memory_space<hbm>> -> memref<128x64xf32, #tpu.memory_space<hbm>>
        tpu.enqueue_dma source(%arg6 : memref<128x64xf32, #tpu.memory_space<vmem>>) target(%dma_start3A_49 : memref<128x64xf32, #tpu.memory_space<hbm>>) target_semaphore(%run_scoped3A : memref<!tpu.dma_semaphore, #tpu.memory_space<semaphore_mem>>)
        %dma_wait3A_50 = arith.constant 0 : i32
        %dma_wait3A_51 = tpu.memref_slice %arg4[%add3A_35, %dma_wait3A_50] : memref<327680x64xf32, #tpu.memory_space<hbm>> -> memref<128x64xf32, #tpu.memory_space<hbm>>
        %dma_wait3A_52 = arith.constant 0 : i32
        %dma_wait3A_53 = tpu.memref_slice %arg4[%add3A_35, %dma_wait3A_52] : memref<327680x64xf32, #tpu.memory_space<hbm>> -> memref<128x64xf32, #tpu.memory_space<hbm>>
        tpu.wait_dma2 semaphore(%run_scoped3A : memref<!tpu.dma_semaphore, #tpu.memory_space<semaphore_mem>>) src(%arg6 : memref<128x64xf32, #tpu.memory_space<vmem>>) dst(%dma_wait3A_53 : memref<128x64xf32, #tpu.memory_space<hbm>>)
        tpu.yield
      }) : () -> ()
      %dma_wait3A_36 = arith.constant 0 : i32
      %dma_wait3A_37 = tpu.memref_slice %arg5[%add3A_16, %dma_wait3A_36] : memref<80x128xi32, #tpu.memory_space<vmem>> -> memref<1x128xi32, #tpu.memory_space<vmem>>
      %dma_wait3A_38 = tpu.memref_squeeze %dma_wait3A_37 : memref<1x128xi32, #tpu.memory_space<vmem>> -> memref<128xi32, #tpu.memory_space<vmem>>
      %dma_wait3A_39 = arith.constant 0 : i32
      %dma_wait3A_40 = arith.constant 0 : i32
      %dma_wait3A_41 = tpu.memref_slice %arg3[%dma_wait3A_39, %dma_wait3A_40] : memref<16384x64xf32, #tpu.memory_space<hbm>> -> memref<16384x64xf32, #tpu.memory_space<hbm>>
      tpu.wait_indirect_dma semaphore(%arg9 : memref<!tpu.dma_semaphore, #tpu.memory_space<semaphore_mem>>) src(%dma_wait3A_41 : memref<16384x64xf32, #tpu.memory_space<hbm>>) dst(%arg7 : memref<128x64xf32, #tpu.memory_space<vmem>>)
      %mul3A_42 = arith.constant 128 : i32
      %mul3A_43 = arith.muli %add3A_16, %mul3A_42 : i32
      %add3A_44 = arith.addi %mul3A_2, %mul3A_43 : i32
      "tpu.region"() ({
        %run_scoped3A = tpu.sem_alloc : memref<!tpu.dma_semaphore, #tpu.memory_space<semaphore_mem>>
        %dma_start3A_46 = arith.constant 0 : i32
        %dma_start3A_47 = tpu.memref_slice %arg4[%add3A_44, %dma_start3A_46] : memref<327680x64xf32, #tpu.memory_space<hbm>> -> memref<128x64xf32, #tpu.memory_space<hbm>>
        %dma_start3A_48 = arith.constant 0 : i32
        %dma_start3A_49 = tpu.memref_slice %arg4[%add3A_44, %dma_start3A_48] : memref<327680x64xf32, #tpu.memory_space<hbm>> -> memref<128x64xf32, #tpu.memory_space<hbm>>
        tpu.enqueue_dma source(%arg7 : memref<128x64xf32, #tpu.memory_space<vmem>>) target(%dma_start3A_49 : memref<128x64xf32, #tpu.memory_space<hbm>>) target_semaphore(%run_scoped3A : memref<!tpu.dma_semaphore, #tpu.memory_space<semaphore_mem>>)
        %dma_wait3A_50 = arith.constant 0 : i32
        %dma_wait3A_51 = tpu.memref_slice %arg4[%add3A_44, %dma_wait3A_50] : memref<327680x64xf32, #tpu.memory_space<hbm>> -> memref<128x64xf32, #tpu.memory_space<hbm>>
        %dma_wait3A_52 = arith.constant 0 : i32
        %dma_wait3A_53 = tpu.memref_slice %arg4[%add3A_44, %dma_wait3A_52] : memref<327680x64xf32, #tpu.memory_space<hbm>> -> memref<128x64xf32, #tpu.memory_space<hbm>>
        tpu.wait_dma2 semaphore(%run_scoped3A : memref<!tpu.dma_semaphore, #tpu.memory_space<semaphore_mem>>) src(%arg7 : memref<128x64xf32, #tpu.memory_space<vmem>>) dst(%dma_wait3A_53 : memref<128x64xf32, #tpu.memory_space<hbm>>)
        tpu.yield
      }) : () -> ()
      %scan3A_45 = arith.constant 0 : i32
      scf.yield %scan3A_45 : i32
    }
    %scan3A_8 = arith.constant 40 : i32
    return
  }
}

module attributes {stable_mosaic.version = 14 : i64} {
  func.func @_knn_body(%arg0: i32, %arg1: memref<1x1024x3xf32, #tpu.memory_space<vmem>>, %arg2: memref<3x64xf32, #tpu.memory_space<vmem>>, %arg3: memref<1x1024x20xi32, #tpu.memory_space<vmem>>, %arg4: memref<1x1024x64xf32, #tpu.memory_space<vmem>>, %arg5: memref<1024x1024xf32, #tpu.memory_space<vmem>>) attributes {dimension_semantics = [#tpu.dimension_semantics<arbitrary>], iteration_bounds = array<i64: 16>, scalar_prefetch = 0 : i64, scratch_operands = 1 : i64, tpu.core_type = #tpu.core_type<tc>, window_params = [{transform_indices = @transform_0, window_bounds = array<i64: 1, 1024, 3>}, {pipeline_mode = #tpu.pipeline_mode<synchronous>, transform_indices = @transform_1, window_bounds = array<i64: 3, 64>}, {transform_indices = @transform_2, window_bounds = array<i64: 1, 1024, 20>}, {transform_indices = @transform_3, window_bounds = array<i64: 1, 1024, 64>}]} {
    %get3A = arith.constant 0 : index
    %get3A_0 = arith.constant 0 : index
    %get3A_1 = arith.constant 0 : index
    %get3A_2 = vector.load %arg1[%get3A, %get3A_0, %get3A_1] : memref<1x1024x3xf32, #tpu.memory_space<vmem>>, vector<1x1024x3xf32>
    %get3A_3 = vector.shape_cast %get3A_2 : vector<1x1024x3xf32> to vector<1024x3xf32>
    %mul3A = arith.mulf %get3A_3, %get3A_3 : vector<1024x3xf32>
    %reduce_sum3A = arith.constant dense<0.000000e+00> : vector<1024xf32>
    %reduce_sum3A_4 = vector.multi_reduction <add>, %mul3A, %reduce_sum3A [1] : vector<1024x3xf32> to vector<1024xf32>
    %broadcast_in_dim3A = vector.shape_cast %reduce_sum3A_4 : vector<1024xf32> to vector<1024x1xf32>
    %convert_element_type3A = arith.truncf %get3A_3 : vector<1024x3xf32> to vector<1024x3xbf16>
    %dot_general3A = arith.constant dense<0.000000e+00> : vector<1024x1024xf32>
    %dot_general3A_5 = tpu.matmul %convert_element_type3A, %convert_element_type3A, %dot_general3A {dimension_numbers = #tpu.dot_dimension_numbers<[1], [1], [0], [0], [0, 0, 1, 0], [], []>, transpose_lhs_hint = false} : vector<1024x3xbf16>, vector<1024x3xbf16>, vector<1024x1024xf32> -> vector<1024x1024xf32>
    %mul3A_6 = arith.constant -2.000000e+00 : f32
    %mul3A_7 = vector.broadcast %mul3A_6 : f32 to vector<1024x1024xf32>
    %mul3A_8 = arith.mulf %mul3A_7, %dot_general3A_5 : vector<1024x1024xf32>
    %add3A = vector.broadcast %broadcast_in_dim3A : vector<1024x1xf32> to vector<1024x1024xf32>
    %add3A_9 = arith.addf %add3A, %mul3A_8 : vector<1024x1024xf32>
    %reshape3A = vector.shape_cast %broadcast_in_dim3A : vector<1024x1xf32> to vector<1x1024xf32>
    %add3A_10 = vector.broadcast %reshape3A : vector<1x1024xf32> to vector<1024x1024xf32>
    %add3A_11 = arith.addf %add3A_9, %add3A_10 : vector<1024x1024xf32>
    %swap3A = arith.constant 0 : index
    %swap3A_12 = arith.constant 0 : index
    %swap3A_13 = vector.load %arg5[%swap3A, %swap3A_12] : memref<1024x1024xf32, #tpu.memory_space<vmem>>, vector<1024x1024xf32>
    tpu.vector_store %arg5[%swap3A, %swap3A_12], %add3A_11 {strides = array<i32>} : memref<1024x1024xf32, #tpu.memory_space<vmem>>, vector<1024x1024xf32>,
    %iota3A = tpu.iota {dimensions = array<i32: 1>} : vector<1024x1024xi32>
    %iota3A_14 = tpu.iota {dimensions = array<i32: 1>} : vector<1024x20xi32>
    %broadcast_in_dim3A_15 = arith.constant 0 : i32
    %broadcast_in_dim3A_16 = vector.broadcast %broadcast_in_dim3A_15 : i32 to vector<1024x20xi32>
    %scan3A = arith.constant 0 : i32
    %scan3A_17 = arith.constant 20 : i32
    %scan3A_18 = arith.addi %scan3A, %scan3A_17 : i32
    %scan3A_19 = arith.constant 1 : i32
    %scan3A_20 = scf.for %scan3A_43 = %scan3A to %scan3A_18 step %scan3A_19 iter_args(%scan3A_44 = %broadcast_in_dim3A_16) -> (vector<1024x20xi32>)  : i32 {
      %get3A_45 = arith.constant 0 : index
      %get3A_46 = arith.constant 0 : index
      %get3A_47 = vector.load %arg5[%get3A_45, %get3A_46] : memref<1024x1024xf32, #tpu.memory_space<vmem>>, vector<1024x1024xf32>
      %reduce_min3A = arith.constant dense<0x7F800000> : vector<1024xf32>
      %reduce_min3A_48 = vector.multi_reduction <minimumf>, %get3A_47, %reduce_min3A [1] : vector<1024x1024xf32> to vector<1024xf32>
      %broadcast_in_dim3A_49 = vector.shape_cast %reduce_min3A_48 : vector<1024xf32> to vector<1024x1xf32>
      %eq3A = vector.broadcast %broadcast_in_dim3A_49 : vector<1024x1xf32> to vector<1024x1024xf32>
      %eq3A_50 = arith.cmpf oeq, %get3A_47, %eq3A : vector<1024x1024xf32>
      %jit3A = arith.constant 1073741824 : i32
      %broadcast_in_dim3A_51 = vector.broadcast %jit3A : i32 to vector<1024x1024xi32>
      %select_n3A = arith.select %eq3A_50, %iota3A, %broadcast_in_dim3A_51 : vector<1024x1024xi1>, vector<1024x1024xi32>
      %reduce_min3A_52 = arith.constant dense<2147483647> : vector<1024xi32>
      %reduce_min3A_53 = vector.multi_reduction <minsi>, %select_n3A, %reduce_min3A_52 [1] : vector<1024x1024xi32> to vector<1024xi32>
      %broadcast_in_dim3A_54 = vector.shape_cast %reduce_min3A_53 : vector<1024xi32> to vector<1024x1xi32>
      %eq3A_55 = vector.broadcast %broadcast_in_dim3A_54 : vector<1024x1xi32> to vector<1024x1024xi32>
      %eq3A_56 = arith.cmpi eq, %iota3A, %eq3A_55 : vector<1024x1024xi32>
      %jit3A_57 = arith.constant 0x7F800000 : f32
      %broadcast_in_dim3A_58 = vector.broadcast %jit3A_57 : f32 to vector<1024x1024xf32>
      %select_n3A_59 = arith.select %eq3A_56, %broadcast_in_dim3A_58, %get3A_47 : vector<1024x1024xi1>, vector<1024x1024xf32>
      %swap3A_60 = arith.constant 0 : index
      %swap3A_61 = arith.constant 0 : index
      %swap3A_62 = vector.load %arg5[%swap3A_60, %swap3A_61] : memref<1024x1024xf32, #tpu.memory_space<vmem>>, vector<1024x1024xf32>
      tpu.vector_store %arg5[%swap3A_60, %swap3A_61], %select_n3A_59 {strides = array<i32>} : memref<1024x1024xf32, #tpu.memory_space<vmem>>, vector<1024x1024xf32>,
      %eq3A_63 = vector.broadcast %scan3A_43 : i32 to vector<1024x20xi32>
      %eq3A_64 = arith.cmpi eq, %iota3A_14, %eq3A_63 : vector<1024x20xi32>
      %broadcast_in_dim3A_65 = vector.shape_cast %reduce_min3A_53 : vector<1024xi32> to vector<1024x1xi32>
      %broadcast_in_dim3A_66 = vector.shape_cast %broadcast_in_dim3A_65 : vector<1024x1xi32> to vector<1024x1xi32>
      %broadcast_in_dim3A_67 = vector.broadcast %broadcast_in_dim3A_66 : vector<1024x1xi32> to vector<1024x20xi32>
      %select_n3A_68 = arith.select %eq3A_64, %broadcast_in_dim3A_67, %scan3A_44 : vector<1024x20xi1>, vector<1024x20xi32>
      scf.yield %select_n3A_68 : vector<1024x20xi32>
    }
    %scan3A_21 = arith.constant 20 : i32
    %mul3A_22 = arith.constant 1024 : i32
    %mul3A_23 = arith.muli %arg0, %mul3A_22 : i32
    %add3A_24 = vector.broadcast %mul3A_23 : i32 to vector<1024x20xi32>
    %add3A_25 = arith.addi %scan3A_20, %add3A_24 : vector<1024x20xi32>
    %swap3A_26 = arith.constant 0 : index
    %swap3A_27 = arith.constant 0 : index
    %swap3A_28 = arith.constant 0 : index
    %swap3A_29 = vector.load %arg3[%swap3A_26, %swap3A_27, %swap3A_28] : memref<1x1024x20xi32, #tpu.memory_space<vmem>>, vector<1x1024x20xi32>
    %swap3A_30 = vector.shape_cast %swap3A_29 : vector<1x1024x20xi32> to vector<1024x20xi32>
    %swap3A_31 = vector.shape_cast %add3A_25 : vector<1024x20xi32> to vector<1x1024x20xi32>
    tpu.vector_store %arg3[%swap3A_26, %swap3A_27, %swap3A_28], %swap3A_31 {strides = array<i32>} : memref<1x1024x20xi32, #tpu.memory_space<vmem>>, vector<1x1024x20xi32>,
    %get3A_32 = arith.constant 0 : index
    %get3A_33 = arith.constant 0 : index
    %get3A_34 = vector.load %arg2[%get3A_32, %get3A_33] : memref<3x64xf32, #tpu.memory_space<vmem>>, vector<3x64xf32>
    %dot_general3A_35 = arith.constant dense<0.000000e+00> : vector<1024x64xf32>
    %dot_general3A_36 = tpu.matmul %get3A_3, %get3A_34, %dot_general3A_35 {dimension_numbers = #tpu.dot_dimension_numbers<[1], [0], [0], [1], [0, 0, 1, 1], [], []>, precision = #tpu.contract_precision<fp32>, transpose_lhs_hint = false} : vector<1024x3xf32>, vector<3x64xf32>, vector<1024x64xf32> -> vector<1024x64xf32>
    %swap3A_37 = arith.constant 0 : index
    %swap3A_38 = arith.constant 0 : index
    %swap3A_39 = arith.constant 0 : index
    %swap3A_40 = vector.load %arg4[%swap3A_37, %swap3A_38, %swap3A_39] : memref<1x1024x64xf32, #tpu.memory_space<vmem>>, vector<1x1024x64xf32>
    %swap3A_41 = vector.shape_cast %swap3A_40 : vector<1x1024x64xf32> to vector<1024x64xf32>
    %swap3A_42 = vector.shape_cast %dot_general3A_36 : vector<1024x64xf32> to vector<1x1024x64xf32>
    tpu.vector_store %arg4[%swap3A_37, %swap3A_38, %swap3A_39], %swap3A_42 {strides = array<i32>} : memref<1x1024x64xf32, #tpu.memory_space<vmem>>, vector<1x1024x64xf32>,
    return
  }
  func.func @transform_0(%arg0: i32) -> (i32, i32, i32) {
    %c0_i32 = arith.constant 0 : i32
    %c0_i32_0 = arith.constant 0 : i32
    %c0_i32_1 = arith.constant 0 : i32
    return %arg0, %c0_i32, %c0_i32_0 : i32, i32, i32
  }
  func.func @transform_1(%arg0: i32) -> (i32, i32) {
    %c0_i32 = arith.constant 0 : i32
    %c0_i32_0 = arith.constant 0 : i32
    %c0_i32_1 = arith.constant 0 : i32
    return %c0_i32, %c0_i32_0 : i32, i32
  }
  func.func @transform_2(%arg0: i32) -> (i32, i32, i32) {
    %c0_i32 = arith.constant 0 : i32
    %c0_i32_0 = arith.constant 0 : i32
    %c0_i32_1 = arith.constant 0 : i32
    return %arg0, %c0_i32, %c0_i32_0 : i32, i32, i32
  }
  func.func @transform_3(%arg0: i32) -> (i32, i32, i32) {
    %c0_i32 = arith.constant 0 : i32
    %c0_i32_0 = arith.constant 0 : i32
    %c0_i32_1 = arith.constant 0 : i32
    return %arg0, %c0_i32, %c0_i32_0 : i32, i32, i32
  }
}

module attributes {stable_mosaic.version = 14 : i64} {
  func.func @_epilogue_body(%arg0: i32, %arg1: memref<128x3xf32, #tpu.memory_space<vmem>>, %arg2: memref<3x64xf32, #tpu.memory_space<vmem>>, %arg3: memref<128x64xf32, #tpu.memory_space<vmem>>, %arg4: memref<128x20x64xf32, #tpu.memory_space<vmem>>, %arg5: memref<128x64xf32, #tpu.memory_space<vmem>>, %arg6: memref<6x64xf32, #tpu.memory_space<vmem>>, %arg7: memref<6x64xf32, #tpu.memory_space<vmem>>, %arg8: memref<2x64xf32, #tpu.memory_space<vmem>>, %arg9: memref<64x64xbf16, #tpu.memory_space<vmem>>, %arg10: memref<128x64xf32, #tpu.memory_space<vmem>>, %arg11: memref<128x20x64xf32, #tpu.memory_space<vmem>>) attributes {dimension_semantics = [#tpu.dimension_semantics<arbitrary>], iteration_bounds = array<i64: 128>, scalar_prefetch = 0 : i64, scratch_operands = 0 : i64, tpu.core_type = #tpu.core_type<tc>, window_params = [{transform_indices = @transform_0, window_bounds = array<i64: 128, 3>}, {pipeline_mode = #tpu.pipeline_mode<synchronous>, transform_indices = @transform_1, window_bounds = array<i64: 3, 64>}, {transform_indices = @transform_2, window_bounds = array<i64: 128, 64>}, {transform_indices = @transform_3, window_bounds = array<i64: 128, 20, 64>}, {transform_indices = @transform_4, window_bounds = array<i64: 128, 64>}, {pipeline_mode = #tpu.pipeline_mode<synchronous>, transform_indices = @transform_5, window_bounds = array<i64: 6, 64>}, {pipeline_mode = #tpu.pipeline_mode<synchronous>, transform_indices = @transform_6, window_bounds = array<i64: 6, 64>}, {pipeline_mode = #tpu.pipeline_mode<synchronous>, transform_indices = @transform_7, window_bounds = array<i64: 2, 64>}, {pipeline_mode = #tpu.pipeline_mode<synchronous>, transform_indices = @transform_8, window_bounds = array<i64: 64, 64>}, {transform_indices = @transform_9, window_bounds = array<i64: 128, 64>}, {transform_indices = @transform_10, window_bounds = array<i64: 128, 20, 64>}]} {
    %get3A = arith.constant 0 : index
    %get3A_0 = arith.constant 0 : index
    %get3A_1 = vector.load %arg6[%get3A, %get3A_0] : memref<6x64xf32, #tpu.memory_space<vmem>>, vector<6x64xf32>
    %get3A_2 = arith.constant 0 : index
    %get3A_3 = arith.constant 0 : index
    %get3A_4 = vector.load %arg7[%get3A_2, %get3A_3] : memref<6x64xf32, #tpu.memory_space<vmem>>, vector<6x64xf32>
    %get3A_5 = arith.constant 0 : index
    %get3A_6 = arith.constant 0 : index
    %get3A_7 = vector.load %arg8[%get3A_5, %get3A_6] : memref<2x64xf32, #tpu.memory_space<vmem>>, vector<2x64xf32>
    %get3A_8 = arith.constant 0 : index
    %get3A_9 = arith.constant 0 : index
    %get3A_10 = vector.load %arg9[%get3A_8, %get3A_9] : memref<64x64xbf16, #tpu.memory_space<vmem>>, vector<64x64xbf16>
    %get3A_11 = arith.constant 0 : index
    %get3A_12 = arith.constant 0 : index
    %get3A_13 = vector.load %arg1[%get3A_11, %get3A_12] : memref<128x3xf32, #tpu.memory_space<vmem>>, vector<128x3xf32>
    %get3A_14 = arith.constant 0 : index
    %get3A_15 = arith.constant 0 : index
    %get3A_16 = vector.load %arg3[%get3A_14, %get3A_15] : memref<128x64xf32, #tpu.memory_space<vmem>>, vector<128x64xf32>
    %get3A_17 = arith.constant 0 : index
    %get3A_18 = arith.constant 0 : index
    %get3A_19 = arith.constant 0 : index
    %get3A_20 = vector.load %arg4[%get3A_17, %get3A_18, %get3A_19] : memref<128x20x64xf32, #tpu.memory_space<vmem>>, vector<128x20x64xf32>
    %slice3A = vector.extract_strided_slice %get3A_1 {offsets = [0, 0], sizes = [1, 64], strides = [1, 1]} : vector<6x64xf32> to vector<1x64xf32>
    %squeeze3A = vector.shape_cast %slice3A : vector<1x64xf32> to vector<64xf32>
    %slice3A_21 = vector.extract_strided_slice %get3A_1 {offsets = [1, 0], sizes = [1, 64], strides = [1, 1]} : vector<6x64xf32> to vector<1x64xf32>
    %squeeze3A_22 = vector.shape_cast %slice3A_21 : vector<1x64xf32> to vector<64xf32>
    %slice3A_23 = vector.extract_strided_slice %get3A_1 {offsets = [2, 0], sizes = [1, 64], strides = [1, 1]} : vector<6x64xf32> to vector<1x64xf32>
    %squeeze3A_24 = vector.shape_cast %slice3A_23 : vector<1x64xf32> to vector<64xf32>
    %slice3A_25 = vector.extract_strided_slice %get3A_1 {offsets = [3, 0], sizes = [1, 64], strides = [1, 1]} : vector<6x64xf32> to vector<1x64xf32>
    %squeeze3A_26 = vector.shape_cast %slice3A_25 : vector<1x64xf32> to vector<64xf32>
    %slice3A_27 = vector.extract_strided_slice %get3A_1 {offsets = [4, 0], sizes = [1, 64], strides = [1, 1]} : vector<6x64xf32> to vector<1x64xf32>
    %squeeze3A_28 = vector.shape_cast %slice3A_27 : vector<1x64xf32> to vector<64xf32>
    %slice3A_29 = vector.extract_strided_slice %get3A_1 {offsets = [5, 0], sizes = [1, 64], strides = [1, 1]} : vector<6x64xf32> to vector<1x64xf32>
    %squeeze3A_30 = vector.shape_cast %slice3A_29 : vector<1x64xf32> to vector<64xf32>
    %slice3A_31 = vector.extract_strided_slice %get3A_4 {offsets = [0, 0], sizes = [1, 64], strides = [1, 1]} : vector<6x64xf32> to vector<1x64xf32>
    %squeeze3A_32 = vector.shape_cast %slice3A_31 : vector<1x64xf32> to vector<64xf32>
    %slice3A_33 = vector.extract_strided_slice %get3A_4 {offsets = [1, 0], sizes = [1, 64], strides = [1, 1]} : vector<6x64xf32> to vector<1x64xf32>
    %squeeze3A_34 = vector.shape_cast %slice3A_33 : vector<1x64xf32> to vector<64xf32>
    %slice3A_35 = vector.extract_strided_slice %get3A_4 {offsets = [2, 0], sizes = [1, 64], strides = [1, 1]} : vector<6x64xf32> to vector<1x64xf32>
    %squeeze3A_36 = vector.shape_cast %slice3A_35 : vector<1x64xf32> to vector<64xf32>
    %slice3A_37 = vector.extract_strided_slice %get3A_4 {offsets = [3, 0], sizes = [1, 64], strides = [1, 1]} : vector<6x64xf32> to vector<1x64xf32>
    %squeeze3A_38 = vector.shape_cast %slice3A_37 : vector<1x64xf32> to vector<64xf32>
    %slice3A_39 = vector.extract_strided_slice %get3A_4 {offsets = [4, 0], sizes = [1, 64], strides = [1, 1]} : vector<6x64xf32> to vector<1x64xf32>
    %squeeze3A_40 = vector.shape_cast %slice3A_39 : vector<1x64xf32> to vector<64xf32>
    %slice3A_41 = vector.extract_strided_slice %get3A_4 {offsets = [5, 0], sizes = [1, 64], strides = [1, 1]} : vector<6x64xf32> to vector<1x64xf32>
    %squeeze3A_42 = vector.shape_cast %slice3A_41 : vector<1x64xf32> to vector<64xf32>
    %get3A_43 = arith.constant 0 : index
    %get3A_44 = arith.constant 0 : index
    %get3A_45 = vector.load %arg2[%get3A_43, %get3A_44] : memref<3x64xf32, #tpu.memory_space<vmem>>, vector<3x64xf32>
    %dot_general3A = arith.constant dense<0.000000e+00> : vector<128x64xf32>
    %dot_general3A_46 = tpu.matmul %get3A_13, %get3A_45, %dot_general3A {dimension_numbers = #tpu.dot_dimension_numbers<[1], [0], [0], [1], [0, 0, 1, 1], [], []>, precision = #tpu.contract_precision<fp32>, transpose_lhs_hint = false} : vector<128x3xf32>, vector<3x64xf32>, vector<128x64xf32> -> vector<128x64xf32>
    %broadcast_in_dim3A = vector.shape_cast %squeeze3A : vector<64xf32> to vector<1x64xf32>
    %add3A = vector.broadcast %broadcast_in_dim3A : vector<1x64xf32> to vector<128x64xf32>
    %add3A_47 = arith.addf %dot_general3A_46, %add3A : vector<128x64xf32>
    %max3A = arith.constant 0.000000e+00 : f32
    %max3A_48 = vector.broadcast %max3A : f32 to vector<128x64xf32>
    %max3A_49 = arith.maximumf %add3A_47, %max3A_48 : vector<128x64xf32>
    %broadcast_in_dim3A_50 = vector.shape_cast %squeeze3A_22 : vector<64xf32> to vector<1x64xf32>
    %mul3A = vector.broadcast %broadcast_in_dim3A_50 : vector<1x64xf32> to vector<128x64xf32>
    %mul3A_51 = arith.mulf %max3A_49, %mul3A : vector<128x64xf32>
    %broadcast_in_dim3A_52 = vector.shape_cast %squeeze3A_24 : vector<64xf32> to vector<1x64xf32>
    %add3A_53 = vector.broadcast %broadcast_in_dim3A_52 : vector<1x64xf32> to vector<128x64xf32>
    %add3A_54 = arith.addf %mul3A_51, %add3A_53 : vector<128x64xf32>
    %slice3A_55 = vector.extract_strided_slice %get3A_7 {offsets = [0, 0], sizes = [1, 64], strides = [1, 1]} : vector<2x64xf32> to vector<1x64xf32>
    %squeeze3A_56 = vector.shape_cast %slice3A_55 : vector<1x64xf32> to vector<64xf32>
    %broadcast_in_dim3A_57 = vector.shape_cast %squeeze3A_56 : vector<64xf32> to vector<1x64xf32>
    %mul3A_58 = vector.broadcast %broadcast_in_dim3A_57 : vector<1x64xf32> to vector<128x64xf32>
    %mul3A_59 = arith.mulf %add3A_54, %mul3A_58 : vector<128x64xf32>
    %convert_element_type3A = arith.truncf %mul3A_59 : vector<128x64xf32> to vector<128x64xbf16>
    %dot_general3A_60 = arith.constant dense<0.000000e+00> : vector<128x64xf32>
    %dot_general3A_61 = tpu.matmul %convert_element_type3A, %get3A_10, %dot_general3A_60 {dimension_numbers = #tpu.dot_dimension_numbers<[1], [0], [0], [1], [0, 0, 1, 1], [], []>, transpose_lhs_hint = false} : vector<128x64xbf16>, vector<64x64xbf16>, vector<128x64xf32> -> vector<128x64xf32>
    %broadcast_in_dim3A_62 = vector.shape_cast %squeeze3A_32 : vector<64xf32> to vector<1x64xf32>
    %add3A_63 = vector.broadcast %broadcast_in_dim3A_62 : vector<1x64xf32> to vector<128x64xf32>
    %add3A_64 = arith.addf %dot_general3A_61, %add3A_63 : vector<128x64xf32>
    %max3A_65 = arith.constant 0.000000e+00 : f32
    %max3A_66 = vector.broadcast %max3A_65 : f32 to vector<128x64xf32>
    %max3A_67 = arith.maximumf %add3A_64, %max3A_66 : vector<128x64xf32>
    %broadcast_in_dim3A_68 = vector.shape_cast %squeeze3A_34 : vector<64xf32> to vector<1x64xf32>
    %mul3A_69 = vector.broadcast %broadcast_in_dim3A_68 : vector<1x64xf32> to vector<128x64xf32>
    %mul3A_70 = arith.mulf %max3A_67, %mul3A_69 : vector<128x64xf32>
    %broadcast_in_dim3A_71 = vector.shape_cast %squeeze3A_36 : vector<64xf32> to vector<1x64xf32>
    %add3A_72 = vector.broadcast %broadcast_in_dim3A_71 : vector<1x64xf32> to vector<128x64xf32>
    %add3A_73 = arith.addf %mul3A_70, %add3A_72 : vector<128x64xf32>
    %broadcast_in_dim3A_74 = vector.shape_cast %get3A_16 : vector<128x64xf32> to vector<128x1x64xf32>
    %sub3A = vector.broadcast %broadcast_in_dim3A_74 : vector<128x1x64xf32> to vector<128x20x64xf32>
    %sub3A_75 = arith.subf %sub3A, %get3A_20 : vector<128x20x64xf32>
    %broadcast_in_dim3A_76 = vector.shape_cast %squeeze3A_26 : vector<64xf32> to vector<1x1x64xf32>
    %add3A_77 = vector.broadcast %broadcast_in_dim3A_76 : vector<1x1x64xf32> to vector<128x20x64xf32>
    %add3A_78 = arith.addf %sub3A_75, %add3A_77 : vector<128x20x64xf32>
    %max3A_79 = arith.constant 0.000000e+00 : f32
    %max3A_80 = vector.broadcast %max3A_79 : f32 to vector<128x20x64xf32>
    %max3A_81 = arith.maximumf %add3A_78, %max3A_80 : vector<128x20x64xf32>
    %broadcast_in_dim3A_82 = vector.shape_cast %squeeze3A_28 : vector<64xf32> to vector<1x1x64xf32>
    %mul3A_83 = vector.broadcast %broadcast_in_dim3A_82 : vector<1x1x64xf32> to vector<128x20x64xf32>
    %mul3A_84 = arith.mulf %max3A_81, %mul3A_83 : vector<128x20x64xf32>
    %broadcast_in_dim3A_85 = vector.shape_cast %squeeze3A_30 : vector<64xf32> to vector<1x1x64xf32>
    %add3A_86 = vector.broadcast %broadcast_in_dim3A_85 : vector<1x1x64xf32> to vector<128x20x64xf32>
    %add3A_87 = arith.addf %mul3A_84, %add3A_86 : vector<128x20x64xf32>
    %slice3A_88 = vector.extract_strided_slice %get3A_7 {offsets = [1, 0], sizes = [1, 64], strides = [1, 1]} : vector<2x64xf32> to vector<1x64xf32>
    %squeeze3A_89 = vector.shape_cast %slice3A_88 : vector<1x64xf32> to vector<64xf32>
    %broadcast_in_dim3A_90 = vector.shape_cast %squeeze3A_89 : vector<64xf32> to vector<1x1x64xf32>
    %mul3A_91 = vector.broadcast %broadcast_in_dim3A_90 : vector<1x1x64xf32> to vector<128x20x64xf32>
    %mul3A_92 = arith.mulf %add3A_87, %mul3A_91 : vector<128x20x64xf32>
    %reshape3A = vector.shape_cast %mul3A_92 : vector<128x20x64xf32> to vector<2560x64xf32>
    %convert_element_type3A_93 = arith.truncf %reshape3A : vector<2560x64xf32> to vector<2560x64xbf16>
    %dot_general3A_94 = arith.constant dense<0.000000e+00> : vector<2560x64xf32>
    %dot_general3A_95 = tpu.matmul %convert_element_type3A_93, %get3A_10, %dot_general3A_94 {dimension_numbers = #tpu.dot_dimension_numbers<[1], [0], [0], [1], [0, 0, 1, 1], [], []>, transpose_lhs_hint = false} : vector<2560x64xbf16>, vector<64x64xbf16>, vector<2560x64xf32> -> vector<2560x64xf32>
    %reshape3A_96 = vector.shape_cast %dot_general3A_95 : vector<2560x64xf32> to vector<128x20x64xf32>
    %broadcast_in_dim3A_97 = vector.shape_cast %squeeze3A_38 : vector<64xf32> to vector<1x1x64xf32>
    %add3A_98 = vector.broadcast %broadcast_in_dim3A_97 : vector<1x1x64xf32> to vector<128x20x64xf32>
    %add3A_99 = arith.addf %reshape3A_96, %add3A_98 : vector<128x20x64xf32>
    %max3A_100 = arith.constant 0.000000e+00 : f32
    %max3A_101 = vector.broadcast %max3A_100 : f32 to vector<128x20x64xf32>
    %max3A_102 = arith.maximumf %add3A_99, %max3A_101 : vector<128x20x64xf32>
    %broadcast_in_dim3A_103 = vector.shape_cast %squeeze3A_40 : vector<64xf32> to vector<1x1x64xf32>
    %mul3A_104 = vector.broadcast %broadcast_in_dim3A_103 : vector<1x1x64xf32> to vector<128x20x64xf32>
    %mul3A_105 = arith.mulf %max3A_102, %mul3A_104 : vector<128x20x64xf32>
    %broadcast_in_dim3A_106 = vector.shape_cast %squeeze3A_42 : vector<64xf32> to vector<1x1x64xf32>
    %add3A_107 = vector.broadcast %broadcast_in_dim3A_106 : vector<1x1x64xf32> to vector<128x20x64xf32>
    %add3A_108 = arith.addf %mul3A_105, %add3A_107 : vector<128x20x64xf32>
    %broadcast_in_dim3A_109 = vector.shape_cast %add3A_73 : vector<128x64xf32> to vector<128x1x64xf32>
    %add3A_110 = vector.broadcast %broadcast_in_dim3A_109 : vector<128x1x64xf32> to vector<128x20x64xf32>
    %add3A_111 = arith.addf %add3A_110, %add3A_108 : vector<128x20x64xf32>
    %ge3A = arith.constant 0.000000e+00 : f32
    %ge3A_112 = vector.broadcast %ge3A : f32 to vector<128x20x64xf32>
    %ge3A_113 = arith.cmpf oge, %add3A_111, %ge3A_112 : vector<128x20x64xf32>
    %mul3A_114 = arith.constant 2.000000e-01 : f32
    %mul3A_115 = vector.broadcast %mul3A_114 : f32 to vector<128x20x64xf32>
    %mul3A_116 = arith.mulf %mul3A_115, %add3A_111 : vector<128x20x64xf32>
    %select_n3A = arith.select %ge3A_113, %add3A_111, %mul3A_116 : vector<128x20x64xi1>, vector<128x20x64xf32>
    %reduce_max3A = arith.constant dense<0xFF800000> : vector<128x64xf32>
    %reduce_max3A_117 = vector.multi_reduction <maximumf>, %select_n3A, %reduce_max3A [1] : vector<128x20x64xf32> to vector<128x64xf32>
    %broadcast_in_dim3A_118 = vector.shape_cast %reduce_max3A_117 : vector<128x64xf32> to vector<128x1x64xf32>
    %sub3A_119 = vector.broadcast %broadcast_in_dim3A_118 : vector<128x1x64xf32> to vector<128x20x64xf32>
    %sub3A_120 = arith.subf %select_n3A, %sub3A_119 : vector<128x20x64xf32>
    %exp3A = math.exp %sub3A_120 : vector<128x20x64xf32>
    %reduce_sum3A = arith.constant dense<0.000000e+00> : vector<128x64xf32>
    %reduce_sum3A_121 = vector.multi_reduction <add>, %exp3A, %reduce_sum3A [1] : vector<128x20x64xf32> to vector<128x64xf32>
    %broadcast_in_dim3A_122 = vector.shape_cast %reduce_sum3A_121 : vector<128x64xf32> to vector<128x1x64xf32>
    %div3A = vector.broadcast %broadcast_in_dim3A_122 : vector<128x1x64xf32> to vector<128x20x64xf32>
    %div3A_123 = arith.divf %exp3A, %div3A : vector<128x20x64xf32>
    %mul3A_124 = arith.mulf %div3A_123, %add3A_87 : vector<128x20x64xf32>
    %reduce_sum3A_125 = arith.constant dense<0.000000e+00> : vector<128x64xf32>
    %reduce_sum3A_126 = vector.multi_reduction <add>, %mul3A_124, %reduce_sum3A_125 [1] : vector<128x20x64xf32> to vector<128x64xf32>
    %get3A_127 = arith.constant 0 : index
    %get3A_128 = arith.constant 0 : index
    %get3A_129 = vector.load %arg5[%get3A_127, %get3A_128] : memref<128x64xf32, #tpu.memory_space<vmem>>, vector<128x64xf32>
    %add3A_130 = arith.addf %reduce_sum3A_126, %get3A_129 : vector<128x64xf32>
    %max3A_131 = arith.constant 0.000000e+00 : f32
    %max3A_132 = vector.broadcast %max3A_131 : f32 to vector<128x64xf32>
    %max3A_133 = arith.maximumf %add3A_130, %max3A_132 : vector<128x64xf32>
    %swap3A = arith.constant 0 : index
    %swap3A_134 = arith.constant 0 : index
    %swap3A_135 = vector.load %arg10[%swap3A, %swap3A_134] : memref<128x64xf32, #tpu.memory_space<vmem>>, vector<128x64xf32>
    tpu.vector_store %arg10[%swap3A, %swap3A_134], %max3A_133 {strides = array<i32>} : memref<128x64xf32, #tpu.memory_space<vmem>>, vector<128x64xf32>,
    %swap3A_136 = arith.constant 0 : index
    %swap3A_137 = arith.constant 0 : index
    %swap3A_138 = arith.constant 0 : index
    %swap3A_139 = vector.load %arg11[%swap3A_136, %swap3A_137, %swap3A_138] : memref<128x20x64xf32, #tpu.memory_space<vmem>>, vector<128x20x64xf32>
    tpu.vector_store %arg11[%swap3A_136, %swap3A_137, %swap3A_138], %add3A_87 {strides = array<i32>} : memref<128x20x64xf32, #tpu.memory_space<vmem>>, vector<128x20x64xf32>,
    return
  }
  func.func @transform_0(%arg0: i32) -> (i32, i32) {
    %c0_i32 = arith.constant 0 : i32
    %c0_i32_0 = arith.constant 0 : i32
    return %arg0, %c0_i32 : i32, i32
  }
  func.func @transform_1(%arg0: i32) -> (i32, i32) {
    %c0_i32 = arith.constant 0 : i32
    %c0_i32_0 = arith.constant 0 : i32
    %c0_i32_1 = arith.constant 0 : i32
    return %c0_i32, %c0_i32_0 : i32, i32
  }
  func.func @transform_2(%arg0: i32) -> (i32, i32) {
    %c0_i32 = arith.constant 0 : i32
    %c0_i32_0 = arith.constant 0 : i32
    return %arg0, %c0_i32 : i32, i32
  }
  func.func @transform_3(%arg0: i32) -> (i32, i32, i32) {
    %c0_i32 = arith.constant 0 : i32
    %c0_i32_0 = arith.constant 0 : i32
    %c0_i32_1 = arith.constant 0 : i32
    return %arg0, %c0_i32, %c0_i32_0 : i32, i32, i32
  }
  func.func @transform_4(%arg0: i32) -> (i32, i32) {
    %jit3A = arith.constant 8 : i32
    %eq3A = arith.constant 0 : i32
    %eq3A_0 = arith.cmpi eq, %jit3A, %eq3A : i32
    %jit3A_1 = arith.constant 1 : i32
    %select_n3A = arith.select %eq3A_0, %jit3A_1, %jit3A : i32
    %rem3A = arith.remsi %arg0, %select_n3A : i32
    %ne3A = arith.constant 0 : i32
    %ne3A_2 = arith.cmpi ne, %rem3A, %ne3A : i32
    %lt3A = arith.constant 0 : i32
    %lt3A_3 = arith.cmpi slt, %rem3A, %lt3A : i32
    %lt3A_4 = arith.constant 0 : i32
    %lt3A_5 = arith.cmpi slt, %select_n3A, %lt3A_4 : i32
    %ne3A_6 = arith.xori %lt3A_3, %lt3A_5 : i1
    %and3A = arith.andi %ne3A_6, %ne3A_2 : i1
    %add3A = arith.addi %rem3A, %select_n3A : i32
    %select_n3A_7 = arith.select %and3A, %add3A, %rem3A : i32
    %c0_i32 = arith.constant 0 : i32
    %c0_i32_8 = arith.constant 0 : i32
    return %select_n3A_7, %c0_i32 : i32, i32
  }
  func.func @transform_5(%arg0: i32) -> (i32, i32) {
    %c0_i32 = arith.constant 0 : i32
    %c0_i32_0 = arith.constant 0 : i32
    %c0_i32_1 = arith.constant 0 : i32
    return %c0_i32, %c0_i32_0 : i32, i32
  }
  func.func @transform_6(%arg0: i32) -> (i32, i32) {
    %c0_i32 = arith.constant 0 : i32
    %c0_i32_0 = arith.constant 0 : i32
    %c0_i32_1 = arith.constant 0 : i32
    return %c0_i32, %c0_i32_0 : i32, i32
  }
  func.func @transform_7(%arg0: i32) -> (i32, i32) {
    %c0_i32 = arith.constant 0 : i32
    %c0_i32_0 = arith.constant 0 : i32
    %c0_i32_1 = arith.constant 0 : i32
    return %c0_i32, %c0_i32_0 : i32, i32
  }
  func.func @transform_8(%arg0: i32) -> (i32, i32) {
    %c0_i32 = arith.constant 0 : i32
    %c0_i32_0 = arith.constant 0 : i32
    %c0_i32_1 = arith.constant 0 : i32
    return %c0_i32, %c0_i32_0 : i32, i32
  }
  func.func @transform_9(%arg0: i32) -> (i32, i32) {
    %c0_i32 = arith.constant 0 : i32
    %c0_i32_0 = arith.constant 0 : i32
    return %arg0, %c0_i32 : i32, i32
  }
  func.func @transform_10(%arg0: i32) -> (i32, i32, i32) {
    %c0_i32 = arith.constant 0 : i32
    %c0_i32_0 = arith.constant 0 : i32
    %c0_i32_1 = arith.constant 0 : i32
    return %arg0, %c0_i32, %c0_i32_0 : i32, i32, i32
  }
}

</mosaic_0001>

<sc_bundles>
// kernel: kernel.5.cloned.1.call-start
scs
__scs_entry_jumppad:
0x0: {  	(pc) =	sbr.rel $0x88, $3  }
0x1: {  	(tag) =	ssettag $0x0;
	lr =	simm.s32 $0x1  }
0x2: {  	[smem:$0x3F8F] =	sst lr;
	_ =	strace $0xD0000000  }
0x3: {  	_ = 	snop  }
0x4: {  	_ = 	snop  }
0x5: {  	_ = 	snop  }
0x6: {  	_ = 	snop  }
0x7: {  	_ = 	snop  }
__scs_overlays_trampoline_lowered:
0x8: {  	[smem:$0x3F9E] =	sst s0  }
0x9: {  	[smem:$0x3F9F] =	sst s1  }
0xa: {  	[smem:$0x3FA0] =	sst s2  }
0xb: {  	[smem:$0x3FA1] =	sst s3  }
0xc: {  	[smem:$0x3FA2] =	sst s4  }
0xd: {  	[smem:$0x3FA3] =	sst s5  }
0xe: {  	[smem:$0x3FA4] =	sst s6  }
0xf: {  	[smem:$0x3FA5] =	sst s7  }
0x10: {  	[smem:$0x3FA6] =	sst s8  }
0x11: {  	[smem:$0x3FA7] =	sst s9;
	s0 =	simm.s32 @!p0 $0x0  }
0x12: {  	s1 =	sld [smem:$0x3F8D];
	s0 =	simm.s32 @p0 $0x1  }
0x13: {  	[smem:$0x3FA8] =	sst s0;
	s0 =	simm.s32 @!p1 $0x0  }
0x14: {  	s2 =	sld [smem:$0x3F8C];
	s0 =	simm.s32 @p1 $0x1  }
0x15: {  	[smem:$0x3FA9] =	sst s0;
	s0 =	simm.s32 @!p2 $0x0  }
0x16: {  	s3 =	sld [smem:$0x3FDB];
	s0 =	simm.s32 @p2 $0x1  }
0x17: {  	s4 =	simm.s32 $0x1BF5;
	[smem:$0x3FAB] =	sst s0  }
0x18: {  	s0 =	sld [smem:$0x3F8E];
	_ =	swait.ge [sflag:s4], $0x0  }
0x19: {  	s7 =	sld [smem:$0x3F8F]  }
0x1a: {  	s8 =	sadd.s32 $0xFFFFE003, lr  }
0x1b: {  	s9 =	sadd.s32 $0xFFFFFEF7, lr;
	s5 =	simm.s32 $0xFFFFFFFF;
	p2 =	slt.u32 s8, $0xFFFFF086  }
0x1c: {  	p1 =	slt.u32 s9, $0xF7A;
	s5 =	simm.s32 @!p2 $0x0  }
0x1d: {  	s5 =	simm.s32 @p1 $0x1;
	p0 =	seq.s32 s7, s2  }
0x1e: {  	s7 =	smul.u32 @!p0 $0xF7A, s2;
	p2 =	seq.s32 @!p0 s5, $0x0  }
0x1f: {  	s9 =	smul.u32 $0xF7A, s1;
	s8 =	simm.s32 @!p0 $0x1BF5;
	p2 =	por !p2, p0  }
0x20: {  	[sflag:s8] =	ssyncset.s32 @!p0 $0xFFFFF086;
	s6 =	sadd.s32 @!p0 s3, s7;
	s7 =	simm.s32 @!p0 $0x108  }
0x21: {  	s3 =	sadd.s32 s3, s9;
	s6 =	sadd.s32 @!p0 $0x88, s6;
	s7 =	simm.s32 @p2 $0x1082  }
0x22: {  	[simem:s7], [sflag:s8] =	dma.local @!p0 [hbm:s6], $0xF7A  }
0x23: {  	s9 =	sor.u32 $0xD0000000, s2;
	s6 =	simm.s32 $0x108;
	_ =	swait.ge @!p0 [sflag:s8], $0x0  }
0x24: {  	s3 =	sadd.s32 $0x88, s3;
	s6 =	simm.s32 @!p1 $0x1082;
	[sflag:s4] =	ssyncset.s32 $0xFFFFF086  }
0x25: {  	[simem:s6], [sflag:s4] =	dma.local [hbm:s3], $0xF7A  }
0x26: {  	[smem:$0x3F8F] =	sst s1;
	(tag) =	ssettag s2;
	_ =	strace s9  }
0x27: {  	s1 =	sld [smem:$0x3F9F]  }
0x28: {  	s2 =	sld [smem:$0x3FA0]  }
0x29: {  	s4 =	sld [smem:$0x3FA2]  }
0x2a: {  	p0 =	seq.s32 s5, $0x0;
	s5 =	sld [smem:$0x3FA3]  }
0x2b: {  	s6 =	sld [smem:$0x3FA4]  }
0x2c: {  	s7 =	sld [smem:$0x3FA5]  }
0x2d: {  	s3 =	simm.s32 $0x108;
	s8 =	sld [smem:$0x3FA6]  }
0x2e: {  	s3 =	simm.s32 @!p0 $0x1082;
	s9 =	sld [smem:$0x3FA7]  }
0x2f: {  	lr =	sadd.s32 s0, s3;
	s0 =	sld [smem:$0x3F9E]  }
0x30: {  	s3 =	sld [smem:$0x3FA1]  }
0x31: {  	[smem:$0x3FAA] =	sst s10  }
0x32: {  	s10 =	sld [smem:$0x3FA8];
	_ =	sdelay $0x3  }
0x33: {  	p0 =	seq.s32 s10, $0x1;
	s10 =	sld [smem:$0x3FAA];
	_ =	sdelay $0x3  }
0x34: {  	[smem:$0x3FAA] =	sst s10  }
0x35: {  	s10 =	sld [smem:$0x3FA9];
	_ =	sdelay $0x3  }
0x36: {  	p1 =	seq.s32 s10, $0x1;
	s10 =	sld [smem:$0x3FAA];
	_ =	sdelay $0x3  }
0x37: {  	[smem:$0x3FAA] =	sst s10  }
0x38: {  	s10 =	sld [smem:$0x3FAB]  }
0x39: {  	_ = 	snop;
	(pc) =	sbr.ind lr, $3  }
0x3a: {  	_ = 	snop  }
0x3b: {  	_ = 	snop  }
0x3c: {  	p2 =	seq.s32 s10, $0x1;
	s10 =	sld [smem:$0x3FAA]  }
0x3d: {  	_ =	shalt  }
0x3e: {  	_ =	shalt  }
0x3f: {  	_ =	shalt  }
0x40: {  	_ =	shalt  }
0x41: {  	_ =	shalt  }
0x42: {  	_ =	shalt  }
0x43: {  	_ =	shalt  }
0x44: {  	_ =	shalt  }
0x45: {  	_ =	shalt  }
0x46: {  	_ =	shalt  }
0x47: {  	_ =	shalt  }
0x48: {  	_ =	shalt  }
0x49: {  	_ =	shalt  }
0x4a: {  	_ =	shalt  }
0x4b: {  	_ =	shalt  }
0x4c: {  	_ =	shalt  }
0x4d: {  	_ =	shalt  }
0x4e: {  	_ =	shalt  }
0x4f: {  	_ =	shalt  }
0x50: {  	_ =	shalt  }
0x51: {  	_ =	shalt  }
0x52: {  	_ =	shalt  }
0x53: {  	_ =	shalt  }
0x54: {  	_ =	shalt  }
0x55: {  	_ =	shalt  }
0x56: {  	_ =	shalt  }
0x57: {  	_ =	shalt  }
0x58: {  	_ =	shalt  }
0x59: {  	_ =	shalt  }
0x5a: {  	_ =	shalt  }
0x5b: {  	_ =	shalt  }
0x5c: {  	_ =	shalt  }
0x5d: {  	_ =	shalt  }
0x5e: {  	_ =	shalt  }
0x5f: {  	_ =	shalt  }
0x60: {  	_ =	shalt  }
0x61: {  	_ =	shalt  }
0x62: {  	_ =	shalt  }
0x63: {  	_ =	shalt  }
0x64: {  	_ =	shalt  }
0x65: {  	_ =	shalt  }
0x66: {  	_ =	shalt  }
0x67: {  	_ =	shalt  }
0x68: {  	_ =	shalt  }
0x69: {  	_ =	shalt  }
0x6a: {  	_ =	shalt  }
0x6b: {  	_ =	shalt  }
0x6c: {  	_ =	shalt  }
0x6d: {  	_ =	shalt  }
0x6e: {  	_ =	shalt  }
0x6f: {  	_ =	shalt  }
0x70: {  	_ =	shalt  }
0x71: {  	_ =	shalt  }
0x72: {  	_ =	shalt  }
0x73: {  	_ =	shalt  }
0x74: {  	_ =	shalt  }
0x75: {  	_ =	shalt  }
0x76: {  	_ =	shalt  }
0x77: {  	_ =	shalt  }
0x78: {  	_ =	shalt  }
0x79: {  	_ =	shalt  }
0x7a: {  	_ =	shalt  }
0x7b: {  	_ =	shalt  }
0x7c: {  	_ =	shalt  }
0x7d: {  	_ =	shalt  }
0x7e: {  	_ =	shalt  }
0x7f: {  	_ =	shalt  }
0x80: {  	_ =	shalt  }
0x81: {  	_ =	shalt  }
0x82: {  	_ =	shalt  }
0x83: {  	_ =	shalt  }
0x84: {  	_ =	shalt  }
0x85: {  	_ =	shalt  }
0x86: {  	_ =	shalt  }
0x87: {  	_ =	shalt  }
.Lfunc_end0:
.L_simem_size_0:
called_computation.1_lowered:
.L_overlay_start_0:
0x88: {  	s2 =	sld [smem:$0x3FD9]  }
0x89: {  	s3 =	sld [smem:$0x3FFE];
	_ =	sdelay $0x1  }
0x8a: {  	s1 =	srdreg.scid  }
0x8b: {  	s0 =	sand.u32 $0x1, s1  }
0x8c: {  	s14 =	sshll.u32 s0, $0xA;
	s2 =	sadd.s32 s3, s2  }
0x8d: {  	s2 =	sadd.s32 s2, s14  }
0x8e: {  	[smem:$0x3FB6] =	sst s2  }
0x8f: {  	_ = 	snop  }
0x90: {  	s2 =	sld [smem:$0x3FD0];
	_ =	sdelay $0x2  }
0x91: {  	s15 =	simm.s32 $0xA;
	s4 =	simm.s32 $0x10  }
0x92: {  	[smem:s4], [sflag:s15] =	dma.local [hbm:s2], $0x1  }
0x93: {  	_ =	swait.eq [sflag:s15], $0x1  }
0x94: {  	[sflag:s15] =	ssyncset.done $0x0  }
0x95: {  	s16 =	sld [smem:$0x10];
	[sflag:s15] =	ssyncadd.s32 $0xFFFFFFFF  }
0x96: {  	s17 =	sld [smem:$0x11];
	(tm) =	ssettm $0x1  }
0x97: {  	s18 =	sld [smem:$0x3FFB];
	_ =	sdelay $0x3  }
0x98: {  	_ =	strace s18  }
0x99: {  	s4 =	sld [smem:$0x3FFC];
	_ =	sdelay $0x3  }
0x9a: {  	_ =	strace s4  }
0x9b: {  	s4 =	sld [smem:$0x3FFD];
	_ =	sdelay $0x3  }
0x9c: {  	_ =	strace s4  }
0x9d: {  	_ =	strace $0x8FFFFFFF  }
0x9e: {  	s19 =	sld [smem:$0x3FDB];
	_ =	sdelay $0x1  }
0x9f: {  	s5 =	simm.s32 $_scs_section_size  }
0xa0: {  	s6 =	simm.s32 $_size__tile_overlayer_lowered;
	s7 =	simm.s32 $_tile_overlayer_lowered  }
0xa1: {  	s22 =	simm.s32 $0x1BFF;
	s21 =	sshll.u32 s7, $0x1;
	s4 =	sadd.s32 s5, s19  }
0xa2: {  	s8 =	simm.s32 $0x0;
	s20 =	sshll.u32 s6, $0x1;
	s6 =	sadd.s32 s21, s4  }
0xa3: {  	[timem:s8], [sflag:s22] =	dma.local [hbm:s6], s20  }
0xa4: {  	_ =	swait.ge [sflag:s22], s20  }
0xa5: {  	s5 =	ssub.s32 $0x0, s20;
	[sflag:s22] =	ssyncset.done $0x0  }
0xa6: {  	[sflag:s22] =	ssyncadd.s32 s5;
	_ =	sdelay $0x1  }
0xa7: {  	s23 =	simm.s32 $0x1B8B  }
0xa8: {  	_ =	swait.ge [sflag:s23], $0x1  }
0xa9: {  	[sflag:s23] =	ssyncset.done $0x0  }
0xaa: {  	s25 =	simm.s32 $0x1B8E;
	s24 =	sld [smem:$0x3FFE];
	[sflag:s23] =	ssyncadd.s32 $0xFFFFFFFF  }
0xab: {  	s26 =	simm.s32 $execute0_lowered;
	[smem:$0x3FD2] =	sst s25  }
0xac: {  	s6 =	sshll.u32 s26, $0x1;
	_ =	strace $0x80000046;
	[dreg:$0x1] =	wrdreg $0xFFFFFFFF  }
0xad: {  	s28 =	simm.s32 $_size_execute0_lowered;
	s4 =	sadd.s32 s4, s6;
	[dreg:$0x0] =	wrdreg $0x0  }
0xae: {  	s6 =	sshll.u32 s28, $0x1;
	[dreg:$0x2] =	wrdreg s4  }
0xaf: {  	[dreg:$0x3] =	wrdreg s6  }
0xb0: {  	[dreg:$0x4] =	wrdreg $0xC0  }
0xb1: {  	_ =	task [dreg:s8], $0x5FFFF  }
0xb2: {  	[dreg:$0x1] =	wrdreg $0xFFFFFFFF  }
0xb3: {  	[dreg:$0x0] =	wrdreg $0x60  }
0xb4: {  	[dreg:$0x2] =	wrdreg s24  }
0xb5: {  	[dreg:$0x3] =	wrdreg s16  }
0xb6: {  	[dreg:$0x4] =	wrdreg s17  }
0xb7: {  	[dreg:$0x5] =	wrdreg $0x9  }
0xb8: {  	_ =	task.clear_ibuf [dreg:s8], $0x6FFFF;
	_ =	strace $0x90000046  }
0xb9: {  	s29 =	simm.s32 $0x9;
	_ =	strace $0x80000048  }
0xba: {  	_ =	swait.ge [sflag:s29], $0x1  }
0xbb: {  	[sflag:s29] =	ssyncadd.s32 $0xFFFFFFFF  }
0xbc: {  	_ =	strace $0x90000048  }
0xbd: {  	_ =	sfence  }
0xbe: {  	s30 =	sld [smem:$0x0];
	_ =	sdelay $0x2  }
0xbf: {  	s31 =	sshll.u32 s1, $0xD;
	s1 =	sshrl.u32 s1, $0x2  }
0xc0: {  	s3 =	sand.u32 $0x4000, s31;
	s1 =	sadd.s32 s1, s30  }
0xc1: {  	s0 =	sor.u32 s3, s0;
	s1 =	sshll.u32 s1, $0x11  }
0xc2: {  	s0 =	sor.u32 s1, s0  }
0xc3: {  	s0 =	sadd.s32 $0x8F2B, s0  }
0xc4: {  	[sflag:s0] =	ssyncadd.remote.s32 $0x1  }
0xc5: {  	_ =	sfence.sel $0xFFFF  }
0xc6: {  	[dreg:$0x0] =	wrdreg $0xFFFFFFFF;
	(pc) =	sbr.abs _section_cstart, $3  }
0xc7: {  	[dreg:$0x1] =	wrdreg $0xFFFFFFFF  }
0xc8: {  	_ =	task.clear_ibuf [dreg:s8], $0x2FFFF;
	_ =	strace $0x9FFFFFFF  }
0xc9: {  	(tm) =	ssettm $0x7FFFFFFF  }
tec
execute0_lowered:
.L_overlay_start_1:
0x0: {  	(tag) =	ssettag $0x1  }
0x1: {  	s4 =	rddreg [dreg:$0x0]  }
0x2: {  	s1 =	srdreg.scid;
	s2 =	rddreg [dreg:$0x1]  }
0x3: {  	s0 =	stileid.u32;
	s6 =	rddreg [dreg:$0x2]  }
0x4: {  	s3 =	simm.s32 $0x0;
	s13 =	simm.s32 $0x2;
	s8 =	smul.u32 $0x140000, s0  }
0x5: {  	s14 =	simm.s32 $0x0;
	s5 =	sand.u32 $0x1, s1;
	s9 =	smul.u32 $0x5000, s0  }
0x6: {  	s28 =	sshll.u32 s0, $0x1;
	[smem:$0x7FF] =	sst s3;
	s11 =	smul.u32 $0x2800, s5  }
0x7: {  	s1 =	sor.u32 s5, s28;
	s10 =	ssub.s32 $0x2, s5;
	s5 =	smul.u32 $0xA0000, s5  }
0x8: {  	s7 =	smul.u32 $0x2800, s1;
	s1 =	rddreg [dreg:$0x3];
	s12 =	sshrl.u32 s10, $0x1  }
0x9: {  	_ =	strace $0x80000047;
	s29 =	ssub.s32 s10, s12;
	s9 =	sadd.s32 s11, s9  }
0xa: {  	s8 =	sadd.s32 s5, s8;
	s10 =	simm.s32 $0x2800;
	s11 =	simm.s32 $0x4800  }
0xb: {  	s12 =	simm.s32 $0x1;
	s7 =	sshrl.u32 s7, $0x3;
	s9 =	sshll.u32 s9, $0x3  }
0xc: {  	s5 =	smax.u32 s29, $0x1;
	s30 =	sshrl.u32 s8, $0x3;
	s8 =	simm.s32 $0x3  }
0xd: {  	s4 =	sadd.s32 s7, s4;
	s31 =	sadd.s32 s9, s6;
	s6 =	sadd.s32 s30, s6  }
0xe: {  	s9 =	simm.s32 $0x80;
	s4 =	sadd.s32 $0x82800, s4;
	s7 =	sadd.s32 $0x400, s31  }
.LBB2_1:
0xf: {  	[tilespmem:s3], [sflag:$0x3] =	stream.linear.gather [hbm4b:s4+s3], $0x2800, $0x38;
	[tilespmem:$0x6800] =	vst v63  }
0x10: {  	_ =	swait.ge [sflag:s8], $0x2800  }
0x11: {  	[sflag:s8] =	ssyncset.done $0x0  }
0x12: {  	[sflag:s8] =	ssyncadd.s32 $0xFFFFD800  }
0x13: {  	[tilespmem:s10], [sflag:$0x1] =	stream.indirect.gather [hbm4b:s2+s9], $0x40, s3, s9, $0xb8;
	[tilespmem:$0x6800] =	vst v63  }
0x14: {  	s15 =	simm.s32 $0x80  }
0x15: {  	[tilespmem:s11], [sflag:$0x2] =	stream.indirect.gather [hbm4b:s2+s9], $0x40, s15, s9, $0xb8;
	[tilespmem:$0x6800] =	vst v63  }
0x16: {  	_ =	swait.ge [sflag:s12], $0x2000  }
0x17: {  	[sflag:s12] =	ssyncset.done $0x0  }
0x18: {  	s30 =	sadd.s32 $0x0, s6;
	[sflag:s12] =	ssyncadd.s32 $0xFFFFE000  }
0x19: {  	[hbm4b:s30+s3] =	stream.linear.scatter [tilespmem:s10], [sflag:$0x3], $0x2000, $0x38;
	[tilespmem:$0x6800] =	vst v63  }
0x1a: {  	_ =	swait.ge [sflag:s8], $0x2000  }
0x1b: {  	[sflag:s8] =	ssyncset.done $0x0  }
0x1c: {  	[sflag:s8] =	ssyncadd.s32 $0xFFFFE000  }
0x1d: {  	_ =	swait.ge [sflag:s13], $0x2000  }
0x1e: {  	[sflag:s13] =	ssyncset.done $0x0  }
0x1f: {  	s31 =	sadd.s32 $0x0, s7;
	[sflag:s13] =	ssyncadd.s32 $0xFFFFE000  }
0x20: {  	[hbm4b:s31+s3] =	stream.linear.scatter [tilespmem:s11], [sflag:$0x3], $0x2000, $0x38;
	[tilespmem:$0x6800] =	vst v63  }
0x21: {  	_ =	swait.ge [sflag:s8], $0x2000  }
0x22: {  	s16 =	simm.s32 $0x0;
	s15 =	simm.s32 $0x800;
	[sflag:s8] =	ssyncset.done $0x0  }
.LBB2_2:
0x23: {  	p0 =	sne.s32 s15, $0x13800;
	[sflag:s8] =	ssyncadd.s32 $0xFFFFE000;
	s16 =	sadd.s32 $0x100, s16  }
0x24: {  	[tilespmem:s10], [sflag:$0x1] =	stream.indirect.gather [hbm4b:s2+s9], $0x40, s16, s9, $0xb8;
	[tilespmem:$0x6800] =	vst v63  }
0x25: {  	s18 =	smov.u32 s15;
	s15 =	sadd.s32 $0x800, s15;
	s17 =	sadd.s32 $0x80, s16  }
0x26: {  	[tilespmem:s11], [sflag:$0x2] =	stream.indirect.gather [hbm4b:s2+s9], $0x40, s17, s9, $0xb8;
	[tilespmem:$0x6800] =	vst v63  }
0x27: {  	_ =	swait.ge [sflag:s12], $0x2000  }
0x28: {  	[sflag:s12] =	ssyncset.done $0x0  }
0x29: {  	s17 =	sadd.s32 s18, s6;
	[sflag:s12] =	ssyncadd.s32 $0xFFFFE000  }
0x2a: {  	[hbm4b:s17+s3] =	stream.linear.scatter [tilespmem:s10], [sflag:$0x3], $0x2000, $0x38;
	[tilespmem:$0x6800] =	vst v63  }
0x2b: {  	_ =	swait.ge [sflag:s8], $0x2000  }
0x2c: {  	[sflag:s8] =	ssyncset.done $0x0  }
0x2d: {  	[sflag:s8] =	ssyncadd.s32 $0xFFFFE000  }
0x2e: {  	_ =	swait.ge [sflag:s13], $0x2000  }
.Ltmp0:
0x2f: {  	[sflag:s13] =	ssyncset.done $0x0;
	(pc) =	sbr.rel @p0 .LBB2_2-.Ltmp0, $4  }
0x30: {  	s17 =	sadd.s32 s18, s7;
	[sflag:s13] =	ssyncadd.s32 $0xFFFFE000  }
0x31: {  	[hbm4b:s17+s3] =	stream.linear.scatter [tilespmem:s11], [sflag:$0x3], $0x2000, $0x38;
	[tilespmem:$0x6800] =	vst v63  }
0x32: {  	_ =	swait.ge [sflag:s8], $0x2000  }
0x33: {  	[sflag:s8] =	ssyncset.done $0x0  }
0x34: {  	s14 =	sadd.s32 $0x1, s14  }
0x35: {  	p0 =	sne.s32 s14, s5  }
.Ltmp1:
0x36: {  	_ = 	snop;
	(pc) =	sbr.rel @p0 .LBB2_1-.Ltmp1, $2  }
0x37: {  	_ =	sdelay $0x2  }
0x38: {  	[sflag:s8] =	ssyncadd.s32 $0xFFFFE000  }
0x39: {  	_ =	sfence.sel $0x180000  }
0x3a: {  	[bflag:$0x0] =	sbarrier.arrive $0xFFFF  }
0x3b: {  	p0 =	sne.s32 s0, $0x0;
	_ =	strace $0x90000047  }
0x3c: {  	s0 =	sadd.s32 @!p0 $0x100000, s1;
	[bflag:$0x2] =	sbarrier.arrive $0xFFFF  }
0x3d: {  	[sflag:s0] =	ssyncadd.tile.s32 @!p0 $0x1;
	_ =	shalt  }
.Lfunc_end2:
_tile_overlayer_lowered:
.L_overlay_start_2:
0x3e: {  	(tag) =	ssettag $0x2  }
0x3f: {  	s0 =	rddreg [dreg:$0x0];
	s2 =	stileid.u32  }
0x40: {  	s1 =	rddreg [dreg:$0x1];
	p0 =	sne.s32 s2, $0x0  }
0x41: {  	s3 =	rddreg [dreg:$0x2];
	[bflag:$0x3] =	sbarrier.arrive $0xFFFF;
	s2 =	simm.s32 @!p0 $0x1C03  }
0x42: {  	[timem:s3], [sflag:s2] =	dma.local @!p0 [hbm:s0], s1  }
0x43: {  	s0 =	simm.s32 @!p0 $0x3  }
0x44: {  	_ =	swait.ge @!p0 [sflag:s0], s1  }
0x45: {  	s1 =	ssub.s32 @!p0 $0x0, s1;
	[sflag:s0] =	ssyncset.done @!p0 $0x0  }
0x46: {  	[sflag:s0] =	ssyncadd.s32 @!p0 s1  }
0x47: {  	[bflag:$0x3] =	sbarrier.arrive $0xFFFF  }
0x48: {  	_ =	shalt  }

// kernel: sparse-core-data-format-call.cloned.1.call-start
scs
called_computation_lowered:
.L_overlay_start_0:
0x0: {  	s2 =	sld [smem:$0x3FD9]  }
0x1: {  	s3 =	sld [smem:$0x3FFE];
	_ =	sdelay $0x1  }
0x2: {  	s1 =	srdreg.scid  }
0x3: {  	s0 =	sand.u32 $0x1, s1  }
0x4: {  	s15 =	sshll.u32 s0, $0xA;
	s2 =	sadd.s32 s3, s2  }
0x5: {  	s2 =	sadd.s32 s2, s15  }
0x6: {  	[smem:$0x3FB6] =	sst s2  }
0x7: {  	_ = 	snop  }
0x8: {  	s2 =	sld [smem:$0x3FD0];
	_ =	sdelay $0x2  }
0x9: {  	s16 =	simm.s32 $0xA;
	s4 =	simm.s32 $0x10  }
0xa: {  	[smem:s4], [sflag:s16] =	dma.local [hbm:s2], $0x1  }
0xb: {  	_ =	swait.eq [sflag:s16], $0x1  }
0xc: {  	[sflag:s16] =	ssyncset.done $0x0  }
0xd: {  	[sflag:s16] =	ssyncadd.s32 $0xFFFFFFFF  }
0xe: {  	s17 =	sld [smem:$0x11];
	(tm) =	ssettm $0x1  }
0xf: {  	s18 =	sld [smem:$0x3FFB];
	_ =	sdelay $0x3  }
0x10: {  	_ =	strace s18  }
0x11: {  	s3 =	sld [smem:$0x3FFC];
	_ =	sdelay $0x3  }
0x12: {  	_ =	strace s3  }
0x13: {  	s3 =	sld [smem:$0x3FFD];
	_ =	sdelay $0x3  }
0x14: {  	_ =	strace s3  }
0x15: {  	_ =	strace $0x8FFFFFFF  }
0x16: {  	s19 =	sld [smem:$0x3FDB];
	_ =	sdelay $0x1  }
0x17: {  	s20 =	simm.s32 $_scs_section_size  }
0x18: {  	s5 =	simm.s32 $_size__tile_overlayer_lowered;
	s6 =	simm.s32 $_tile_overlayer_lowered  }
0x19: {  	s23 =	simm.s32 $0x1BFF;
	s22 =	sshll.u32 s6, $0x1;
	s3 =	sadd.s32 s20, s19  }
0x1a: {  	s7 =	simm.s32 $0x0;
	s21 =	sshll.u32 s5, $0x1;
	s5 =	sadd.s32 s22, s3  }
0x1b: {  	[timem:s7], [sflag:s23] =	dma.local [hbm:s5], s21  }
0x1c: {  	_ =	swait.ge [sflag:s23], s21  }
0x1d: {  	s4 =	ssub.s32 $0x0, s21;
	[sflag:s23] =	ssyncset.done $0x0  }
0x1e: {  	[sflag:s23] =	ssyncadd.s32 s4;
	_ =	sdelay $0x1  }
0x1f: {  	s24 =	simm.s32 $0x1B8B  }
0x20: {  	_ =	swait.ge [sflag:s24], $0x1  }
0x21: {  	[sflag:s24] =	ssyncset.done $0x0  }
0x22: {  	s26 =	simm.s32 $0x1B8E;
	s25 =	sld [smem:$0x3FFE];
	[sflag:s24] =	ssyncadd.s32 $0xFFFFFFFF  }
0x23: {  	s27 =	simm.s32 $execute0_lowered;
	[smem:$0x3FD2] =	sst s26  }
0x24: {  	s5 =	sshll.u32 s27, $0x1;
	_ =	strace $0x80000049;
	[dreg:$0x1] =	wrdreg $0xFFFFFFFF  }
0x25: {  	s28 =	simm.s32 $_size_execute0_lowered;
	s3 =	sadd.s32 s3, s5;
	[dreg:$0x0] =	wrdreg $0x0  }
0x26: {  	s5 =	sshll.u32 s28, $0x1;
	[dreg:$0x2] =	wrdreg s3  }
0x27: {  	[dreg:$0x3] =	wrdreg s5  }
0x28: {  	[dreg:$0x4] =	wrdreg $0xC0  }
0x29: {  	_ =	task [dreg:s7], $0x5FFFF  }
0x2a: {  	[dreg:$0x1] =	wrdreg $0xFFFFFFFF  }
0x2b: {  	[dreg:$0x0] =	wrdreg $0x60  }
0x2c: {  	[dreg:$0x2] =	wrdreg s25  }
0x2d: {  	[dreg:$0x3] =	wrdreg s17  }
0x2e: {  	[dreg:$0x4] =	wrdreg $0x9  }
0x2f: {  	_ =	task.clear_ibuf [dreg:s7], $0x5FFFF;
	_ =	strace $0x90000049  }
0x30: {  	s29 =	simm.s32 $0x9;
	_ =	strace $0x8000004B  }
0x31: {  	_ =	swait.ge [sflag:s29], $0x1  }
0x32: {  	[sflag:s29] =	ssyncadd.s32 $0xFFFFFFFF  }
0x33: {  	_ =	strace $0x9000004B  }
0x34: {  	_ =	sfence  }
0x35: {  	s30 =	sld [smem:$0x0];
	_ =	sdelay $0x2  }
0x36: {  	s31 =	sshll.u32 s1, $0xD;
	s1 =	sshrl.u32 s1, $0x2  }
0x37: {  	s3 =	sand.u32 $0x4000, s31;
	s1 =	sadd.s32 s1, s30  }
0x38: {  	s0 =	sor.u32 s3, s0;
	s1 =	sshll.u32 s1, $0x11  }
0x39: {  	s0 =	sor.u32 s1, s0  }
0x3a: {  	s0 =	sadd.s32 $0x8F2B, s0  }
0x3b: {  	[sflag:s0] =	ssyncadd.remote.s32 $0x1  }
0x3c: {  	_ =	sfence.sel $0xFFFF  }
0x3d: {  	[dreg:$0x0] =	wrdreg $0xFFFFFFFF;
	(pc) =	sbr.abs _section_cstart, $3  }
0x3e: {  	[dreg:$0x1] =	wrdreg $0xFFFFFFFF  }
0x3f: {  	_ =	task.clear_ibuf [dreg:s7], $0x2FFFF;
	_ =	strace $0x9FFFFFFF  }
0x40: {  	(tm) =	ssettm $0x7FFFFFFF  }
0x41: {  	_ =	shalt  }
tec
execute0_lowered:
.L_overlay_start_1:
0x0: {  	(tag) =	ssettag $0x1  }
0x1: {  	s3 =	rddreg [dreg:$0x0]  }
0x2: {  	s0 =	srdreg.scid;
	s2 =	rddreg [dreg:$0x1]  }
0x3: {  	s7 =	simm.s32 $0x2;
	s14 =	simm.s32 $0x0;
	s0 =	sshll.u32 s0, $0x7  }
0x4: {  	p0 =	por $0x0, $0x0;
	s8 =	simm.s32 $0x2000;
	s1 =	sand.u32 $0x80, s0  }
0x5: {  	s13 =	simm.s32 $0x0;
	s15 =	simm.s32 $0x0;
	s4 =	ssub.s32 $0x400, s1  }
0x6: {  	s9 =	simm.s32 $0x0;
	s11 =	stileid.u32;
	s5 =	sshrl.u32 s4, $0x7  }
.Ltmp0:
0x7: {  	s6 =	sshrl.u32 s4, $0x8;
	s5 =	sand.u32 $0x1, s5;
	(pc) =	sbr.rel .LBB1_1-.Ltmp0, $4  }
0x8: {  	s12 =	simm.s32 $0x0;
	s0 =	rddreg [dreg:$0x2];
	s5 =	sadd.s32 s6, s5  }
0x9: {  	_ =	strace $0x8000004A;
	s4 =	simm.s32 $0x1;
	s5 =	smul.u32 $0x14, s5  }
0xa: {  	s10 =	smov.u32 s1;
	[sflag:s4] =	ssyncpa.u1 $0x0;
	s6 =	sadd.s32 $0x682800, s3  }
0xb: {  	s3 =	stileid.u32;
	[sflag:s7] =	ssyncpa.u1 $0x0;
	s7 =	sor.u32 $0x1, s5  }
.LBB1_4:
0xc: {  	s15 =	smul.u32 $0x28000, s15;
	_ =	sdelay $0x1  }
0xd: {  	s18 =	sand.u32 $0x1F80, s13;
	s14 =	sshll.u32 s14, $0xD;
	s15 =	sadd.s32 s2, s15  }
0xe: {  	[tilespmem:s17+$0x810 ss:$0x81] =	vst.msk $0xffff, v2;
	s19 =	sshrl.u32 s13, $0x3;
	s30 =	sand.u32 $0x7, s13;
	s15 =	sadd.s32 s18, s15  }
0xf: {  	[tilespmem:s17+$0x1020 ss:$0x81] =	vst.msk $0xffff, v0;
	s31 =	sand.u32 $0xF, s19;
	s13 =	sshll.u32 s30, $0x12;
	s14 =	sadd.s32 s14, s15  }
0x10: {  	[tilespmem:s17+$0x0 ss:$0x81] =	vst.msk $0xffff, v1;
	s13 =	sor.u32 $0x400, s13;
	s14 =	sadd.s32 s31, s14  }
0x11: {  	[hbm4b:s14+s13] =	stream.strided.scatter [tilespmem:s16], [sflag:$0x2], $0x2000, s8, s13, $0x20;
	[tilespmem:$0x8080] =	vst v63  }
.LBB1_5:
0x12: {  	s16 =	sadd.s32 $0x1, s9  }
0x13: {  	s13 =	sadd.s32 $0x100, s10;
	s17 =	smov.u32 s10;
	p2 =	sgt.s32 s16, $0x13  }
0x14: {  	s17 =	smov.u32 @p2 s13  }
0x15: {  	s19 =	smov.u32 s11;
	s13 =	sadd.s32 $0x10, s11;
	p3 =	sgt.s32 s17, $0x3FF  }
0x16: {  	s19 =	smov.u32 @p3 s13  }
0x17: {  	s16 =	simm.s32 @p2 $0x0;
	p2 =	sgt.s32 s19, $0xF  }
0x18: {  	p1 =	slt.u32 s12, $0x2;
	s19 =	smov.u32 @p2 s3;
	p2 =	sne.s32 s12, s7  }
.Ltmp1:
0x19: {  	s18 =	simm.s32 @!p1 $0x2;
	(pc) =	sbr.rel @!p2 .LBB1_6-.Ltmp1, $4  }
0x1a: {  	s14 =	smov.u32 s9;
	s15 =	smov.u32 s11;
	_ =	swait.ge @!p1 [sflag:s18], $0x2000  }
0x1b: {  	p0 =	por !p0, !p0;
	[sflag:s18] =	ssyncset.done @!p1 $0x0;
	s9 =	smov.u32 s16  }
0x1c: {  	s17 =	smov.u32 @p3 s1;
	s13 =	smov.u32 s10;
	[sflag:s18] =	ssyncadd.s32 @!p1 $0xFFFFE000  }
0x1d: {  	s10 =	smov.u32 s17;
	s12 =	sadd.s32 $0x1, s12;
	s11 =	smov.u32 s19  }
.LBB1_1:
0x1e: {  	p1 =	sge.u32 s12, s5  }
0x1f: {  	s16 =	sand.u32 @!p1 $0x1FFFFFF, s9;
	s18 =	smul.u32 @!p1 $0x60000, s11  }
0x20: {  	s17 =	smulhi.u32 @!p1 $0xAAAAAAB, s16  }
0x21: {  	s20 =	smul.u32 @!p1 $0x180, s10  }
0x22: {  	s17 =	smul.u32 @!p1 $0x18, s17  }
0x23: {  	s31 =	sadd.s32 $0xFFFFFFFF, s12;
	s18 =	sadd.s32 @!p1 s6, s18  }
0x24: {  	s19 =	sxor.u32 @!p1 $0xFFFFFFFF, s12;
	s18 =	sadd.s32 @!p1 s20, s18;
	s16 =	ssub.s32 @!p1 s16, s17  }
0x25: {  	s17 =	sshll.u32 @!p1 s19, $0xD;
	s19 =	simm.s32 @!p1 $0xC00;
	s16 =	sshll.u32 @!p1 s16, $0x4  }
0x26: {  	s17 =	sand.u32 @!p1 $0x2000, s17;
	s16 =	sadd.s32 @!p1 s16, s18;
	s18 =	simm.s32 @!p1 $0x40  }
0x27: {  	[tilespmem:s17], [sflag:$0x1] =	stream.strided.gather @!p1 [hbm4b:s16+s18], $0x2000, s19, s18, $0x38;
	[tilespmem:$0x8080] =	vst v63  }
0x28: {  	p1 =	sge.u32 s31, s5  }
.Ltmp2:
0x29: {  	_ = 	snop;
	(pc) =	sbr.rel @p1 .LBB1_5-.Ltmp2, $1  }
0x2a: {  	_ =	sdelay $0x3  }
0x2b: {  	s16 =	simm.s32 $0x1  }
0x2c: {  	_ =	swait.ge [sflag:s4], $0x2000;
	s16 =	simm.s32 @!p0 $0x0  }
0x2d: {  	[sflag:s4] =	ssyncset.done $0x0;
	s17 =	sshll.u32 s16, $0xD  }
0x2e: {  	[sflag:s4] =	ssyncadd.s32 $0xFFFFE000;
	s20 =	sor.u32 $0x20, s17  }
0x2f: {  	s16 =	smul.u32 $0x8100, s16;
	v3 =	vld [tilespmem:s20+$0x10]  }
0x30: {  	s30 =	sand.u32 $0x1, s12;
	v2 =	vld [tilespmem:s20+$0xFFFFFFF0]  }
0x31: {  	s17 =	smul.u32 $0x8100, s30;
	s16 =	sshrl.u32 s16, $0x2;
	v0 =	vld [tilespmem:s20+$0x0]  }
0x32: {  	v1 =	vld [tilespmem:s20+$0xFFFFFFE0];
	s18 =	sor.u32 $0x4000, s16  }
0x33: {  	s31 =	sshrl.u32 s17, $0x2;
	s17 =	sadd.s32 $0x0, s18  }
0x34: {  	s19 =	simm.s32 $0x4;
	s20 =	sadd.s32 $0x40, s20;
	s16 =	sor.u32 $0x4000, s31;
	[tilespmem:s17+$0x1830 ss:$0x81] =	vst.msk $0xffff, v3  }
.LBB1_3:
0x35: {  	v3 =	vld [tilespmem:s20+$0x10];
	p1 =	sne.s32 s19, $0x1FC;
	[tilespmem:s17+$0x810 ss:$0x81] =	vst.msk $0xffff, v2;
	s21 =	smov.u32 s19;
	s19 =	sadd.s32 $0x4, s19  }
.Ltmp3:
0x36: {  	v2 =	vld [tilespmem:s20+$0xFFFFFFF0];
	[tilespmem:s17+$0x1020 ss:$0x81] =	vst.msk $0xffff, v0;
	(pc) =	sbr.rel @p1 .LBB1_3-.Ltmp3, $4  }
0x37: {  	v0 =	vld [tilespmem:s20+$0x0];
	[tilespmem:s17+$0x0 ss:$0x81] =	vst.msk $0xffff, v1  }
0x38: {  	s17 =	sshra.s32 s21, $0x2;
	v1 =	vld [tilespmem:s20+$0xFFFFFFE0]  }
0x39: {  	s17 =	sadd.s32 s17, s18  }
0x3a: {  	s20 =	sadd.s32 $0x40, s20;
	[tilespmem:s17+$0x1830 ss:$0x81] =	vst.msk $0xffff, v3  }
.Ltmp4:
0x3b: {  	_ = 	snop;
	(pc) =	sbr.rel .LBB1_4-.Ltmp4, $1  }
0x3c: {  	_ =	sdelay $0x3  }
.LBB1_6:
0x3d: {  	_ =	sfence.sel $0x180000  }
0x3e: {  	s1 =	simm.s32 $0x1;
	[bflag:$0x0] =	sbarrier.arrive $0xFFFF  }
0x3f: {  	s31 =	simm.s32 $0x2;
	[sflag:s1] =	ssyncpa.u1 $0x1  }
0x40: {  	[sflag:s31] =	ssyncpa.u1 $0x1  }
0x41: {  	p0 =	sne.s32 s3, $0x0;
	_ =	strace $0x9000004A  }
0x42: {  	s0 =	sadd.s32 @!p0 $0x100000, s0;
	[bflag:$0x2] =	sbarrier.arrive $0xFFFF  }
0x43: {  	[sflag:s0] =	ssyncadd.tile.s32 @!p0 $0x1;
	_ =	shalt  }
.Lfunc_end1:
_tile_overlayer_lowered:
.L_overlay_start_2:
0x44: {  	(tag) =	ssettag $0x2  }
0x45: {  	s0 =	rddreg [dreg:$0x0];
	s2 =	stileid.u32  }
0x46: {  	s1 =	rddreg [dreg:$0x1];
	p0 =	sne.s32 s2, $0x0  }
0x47: {  	s3 =	rddreg [dreg:$0x2];
	[bflag:$0x3] =	sbarrier.arrive $0xFFFF;
	s2 =	simm.s32 @!p0 $0x1C01  }
0x48: {  	[timem:s3], [sflag:s2] =	dma.local @!p0 [hbm:s0], s1  }
0x49: {  	s0 =	simm.s32 @!p0 $0x1  }
0x4a: {  	_ =	swait.ge @!p0 [sflag:s0], s1  }
0x4b: {  	s1 =	ssub.s32 @!p0 $0x0, s1;
	[sflag:s0] =	ssyncset.done @!p0 $0x0  }
0x4c: {  	[sflag:s0] =	ssyncadd.s32 @!p0 s1  }
0x4d: {  	[bflag:$0x3] =	sbarrier.arrive $0xFFFF  }
0x4e: {  	_ =	shalt  }

</sc_bundles>
